<compile_context>
chip_gen: v7x
topology: tpu7x:2x2x1
jax: 0.10.2.dev20260603
libtpu: 0.0.44.dev20260713+nightly
codegen_flags: <defaults>
</compile_context>

<pallas_src>
import functools

import jax
import jax.numpy as jnp
from jax import lax
from jax.experimental import pallas as pl
from jax.experimental.pallas import tpu as pltpu
from jax.experimental.pallas import tpu_sc as plsc

N_NEIGHBORS = 32
EPSILON = 1e-5
DENOM_CONST = 1e-5
BIG = 3.0e38
CUT = 1.0e37

BLK = 2048
LANES = 128
GSUB = BLK // LANES
NSEL = 36
CAPV = 160
N_CHUNKS = 1
SC_LANES = 16


def _dist_kernel(q_ref, m_ref, d2_ref, gm_ref, sum_ref, tau_ref, acc_ref,
                 qmin_ref, *, n_q, n_k, n_blocks):
    j = pl.program_id(0)

    @pl.when(j == 0)
    def _init():
        acc_ref[0] = 0.0
        qmin_ref[...] = jnp.full((n_q, 256), BIG, jnp.float32)

    q = q_ref[...]
    m = m_ref[...]
    qm = lax.dot_general(q.astype(jnp.bfloat16), m.astype(jnp.bfloat16),
                         (((1,), (1,)), ((), ())),
                         preferred_element_type=jnp.float32)
    q2 = jnp.sum(q * q, axis=1, keepdims=True)
    ones8 = jnp.ones((8, q.shape[1]), jnp.float32)
    m2row = lax.dot_general(ones8, m * m, (((1,), (1,)), ((), ())),
                            preferred_element_type=jnp.float32)[0:1, :]
    d2 = jnp.maximum(q2 + m2row - 2.0 * qm, 0.0)

    col = j * BLK + lax.broadcasted_iota(jnp.int32, (n_q, BLK), 1)
    valid = col < n_k
    acc_ref[0] += jnp.sum(jnp.where(valid, d2, 0.0))

    scd = jnp.where(valid, d2, BIG)
    d2_ref[...] = scd
    gm = scd[:, 0:LANES]
    for k in range(1, GSUB):
        gm = jnp.minimum(gm, scd[:, k * LANES:(k + 1) * LANES])
    gm_ref[...] = gm

    colpos = lax.broadcasted_iota(jnp.int32, (n_q, 256), 1)
    qs = qmin_ref[...]
    for k in range(4):
        qmk = jnp.min(scd[:, k * (BLK // 4):(k + 1) * (BLK // 4)], axis=1,
                      keepdims=True)
        qs = jnp.minimum(qs, jnp.where(colpos == j * 4 + k, qmk, BIG))
    qmin_ref[...] = qs

    @pl.when(j == n_blocks - 1)
    def _finish():
        sum_ref[...] = jnp.full((1, 1), acc_ref[0], jnp.float32)

        def tx(i, carry):
            qs, _ = carry
            mm = jnp.min(qs, axis=1, keepdims=True)
            return jnp.where(qs == mm, BIG, qs), mm

        _, tau = lax.fori_loop(0, N_NEIGHBORS, tx, (qmin_ref[...],
                                                    jnp.zeros((n_q, 1))))
        tau_ref[...] = tau


def _shuf_min(a, iota16):
    for s in (8, 4, 2, 1):
        a = jnp.minimum(a, jnp.take(a, iota16 ^ s))
    return a


def _shuf_max(a, iota16):
    for s in (8, 4, 2, 1):
        a = jnp.maximum(a, jnp.take(a, iota16 ^ s))
    return a


def _select_kernel(gm_hbm, tau_hbm, d2_hbm, out_hbm, gmv2, tausc, cvals,
                   cids, summ, maskb, gbuf2, semg, sem1, semo, *, n_q, k_pad,
                   n_groups, rows_per_w):
    ngv = n_groups // SC_LANES
    wid = lax.axis_index("s") * 2 + lax.axis_index("c")
    big = jnp.full((SC_LANES,), BIG, jnp.float32)
    iota16 = lax.broadcasted_iota(jnp.int32, (SC_LANES,), 0)
    r0 = wid * rows_per_w

    pltpu.sync_copy(tau_hbm.at[pl.ds(r0, rows_per_w)],
                    tausc.at[pl.ds(0, rows_per_w)])
    pltpu.make_async_copy(gm_hbm.at[r0], gmv2.at[0], semg).start()

    def row_body(rr, _):
        r = r0 + rr
        buf = rr & 1
        gmv = gmv2.at[buf]
        gbuf = gbuf2.at[buf]
        pltpu.make_async_copy(gm_hbm.at[r], gmv, semg).wait()

        @pl.when(rr + 1 < rows_per_w)
        def _prefetch():
            pltpu.make_async_copy(gm_hbm.at[r + 1], gmv2.at[1 - buf],
                                  semg).start()

        tvec = tausc[pl.ds((rr >> 4) * SC_LANES, SC_LANES)]
        rot = jnp.take(tvec, (iota16 + (rr & (SC_LANES - 1))) &
                       (SC_LANES - 1))
        tau_s = rot[0]

        @pl.when(rr >= 2)
        def _drain_prev_out():
            pltpu.make_async_copy(gbuf, out_hbm.at[r - 2], semo).wait()

        def inits(t, c):
            summ[pl.ds(t * SC_LANES, SC_LANES)] = big
            return c

        lax.fori_loop(0, CAPV // SC_LANES, inits, 0)

        def summ_set(e, valsplat):
            si = (e >> 4) * SC_LANES
            sl = e & (SC_LANES - 1)
            old = summ[pl.ds(si, SC_LANES)]
            summ[pl.ds(si, SC_LANES)] = jnp.where(iota16 == sl, valsplat,
                                                  old)

        def p2(t, ev):
            v = [gmv[pl.ds((t * 4 + h) * SC_LANES, SC_LANES)]
                 for h in range(4)]
            mn = _shuf_min(jnp.minimum(jnp.minimum(v[0], v[1]),
                                       jnp.minimum(v[2], v[3])), iota16)

            def app(ev):
                e = jnp.minimum(ev, jnp.int32(CAPV - 4))
                o = e * SC_LANES
                for h in range(4):
                    cvals[pl.ds(o + h * SC_LANES, SC_LANES)] = v[h]
                    cids[pl.ds(o + h * SC_LANES, SC_LANES)] = \
                        (t * 4 + h) * SC_LANES + iota16
                    summ_set(e + h, _shuf_min(v[h], iota16))
                return ev + 4

            return lax.cond(mn[0] <= tau_s, app, lambda e: e, ev)

        lax.fori_loop(0, ngv // 4, p2, jnp.int32(0))

        nsum = CAPV // SC_LANES

        def p3(i, _):
            def mintree(t, acc):
                return jnp.minimum(acc, summ[pl.ds(t * SC_LANES, SC_LANES)])

            mv = lax.fori_loop(0, nsum, mintree, big)
            msv = _shuf_min(mv, iota16)

            def findev(t, acc):
                sv = summ[pl.ds(t * SC_LANES, SC_LANES)]
                eids = t * SC_LANES + iota16
                return jnp.minimum(acc,
                                   jnp.where(sv == msv, eids,
                                             jnp.int32(9999)))

            evv = lax.fori_loop(0, nsum, findev,
                                jnp.full((SC_LANES,), 9999, jnp.int32))
            e = jnp.minimum(_shuf_min(evv, iota16)[0], CAPV - 1)
            o = e * SC_LANES
            bv = cvals[pl.ds(o, SC_LANES)]
            lanev = _shuf_min(jnp.where(bv == msv, iota16, SC_LANES), iota16)
            gid = jnp.take(cids[pl.ds(o, SC_LANES)], lanev)[0]
            gid = jnp.clip(gid, 0, n_groups - 1)
            bv2 = jnp.where(iota16 == lanev, big, bv)
            cvals[pl.ds(o, SC_LANES)] = bv2
            summ_set(e, _shuf_min(bv2, iota16))
            jt = gid >> 7
            lt = gid & (LANES - 1)
            idxv = r * k_pad + jt * BLK + lt + LANES * iota16
            maskb[i, :] = msv
            pltpu.make_async_copy(d2_hbm.at[idxv], gbuf.at[i], sem1).start()
            return 0

        lax.fori_loop(0, NSEL, p3, 0)

        def drain(i, _):
            pltpu.make_async_copy(d2_hbm.at[pl.ds(0, SC_LANES)],
                                  gbuf.at[i], sem1).wait()
            return 0

        lax.fori_loop(0, NSEL, drain, 0)

        def fin(t, _):
            g = gbuf[t, :]
            mk = maskb[t, :]
            gbuf[t, :] = jnp.where(mk < CUT, g, big)
            return 0

        lax.fori_loop(0, NSEL, fin, 0)
        pltpu.make_async_copy(gbuf, out_hbm.at[r], semo).start()
        return 0

    lax.fori_loop(0, rows_per_w, row_body, 0)

    pltpu.make_async_copy(gbuf2.at[(rows_per_w - 2) & 1],
                          out_hbm.at[r0 + rows_per_w - 2], semo).wait()
    pltpu.make_async_copy(gbuf2.at[(rows_per_w - 1) & 1],
                          out_hbm.at[r0 + rows_per_w - 1], semo).wait()


def _final_kernel(cand_ref, sum_ref, out_ref, sc_ref, *, n_q, n_k):
    sc_ref[...] = cand_ref[...]
    mean = sum_ref[0, 0] / jnp.float32(n_q * n_k)
    topv = jnp.full((n_q, N_NEIGHBORS), BIG, jnp.float32)

    def body(i, topv):
        sc = sc_ref[...]
        mm = jnp.min(sc, axis=1, keepdims=True)
        shifted = jnp.concatenate(
            [jnp.full((n_q, 1), -BIG, jnp.float32), topv[:, :N_NEIGHBORS - 1]],
            axis=1)
        topv = jnp.minimum(topv, jnp.maximum(shifted, mm))
        sc_ref[...] = jnp.where(sc == mm, BIG, sc)
        return topv

    topv = lax.fori_loop(0, N_NEIGHBORS, body, topv)
    kv = EPSILON / (topv / mean + EPSILON)
    out_ref[...] = lax.rsqrt(jnp.sum(kv, axis=1, keepdims=True) + DENOM_CONST)


@jax.jit
def _episodic_reward(queries, memory):
    n_q, d = queries.shape
    n_k = memory.shape[0]
    n_blocks = pl.cdiv(n_k, BLK)
    k_pad = n_blocks * BLK
    n_groups = n_blocks * LANES
    mem_p = jnp.pad(memory, ((0, k_pad - n_k), (0, 0)))

    nq_c = n_q // N_CHUNKS
    rows_per_w = nq_c // 32
    mesh = plsc.VectorSubcoreMesh(core_axis_name="c", subcore_axis_name="s")

    cands, tots = [], []
    for c in range(N_CHUNKS):
        qc = queries[c * nq_c:(c + 1) * nq_c]
        d2, gm, tot, tau = pl.pallas_call(
            functools.partial(_dist_kernel, n_q=nq_c, n_k=n_k,
                              n_blocks=n_blocks),
            grid=(n_blocks,),
            in_specs=[
                pl.BlockSpec((nq_c, d), lambda j: (0, 0)),
                pl.BlockSpec((BLK, d), lambda j: (j, 0)),
            ],
            out_specs=[
                pl.BlockSpec((nq_c, BLK), lambda j: (0, j)),
                pl.BlockSpec((nq_c, LANES), lambda j: (0, j)),
                pl.BlockSpec((1, 1), lambda j: (0, 0)),
                pl.BlockSpec((nq_c, 1), lambda j: (0, 0)),
            ],
            out_shape=[
                jax.ShapeDtypeStruct((nq_c, k_pad), jnp.float32),
                jax.ShapeDtypeStruct((nq_c, n_groups), jnp.float32),
                jax.ShapeDtypeStruct((1, 1), jnp.float32),
                jax.ShapeDtypeStruct((nq_c, 1), jnp.float32),
            ],
            scratch_shapes=[pltpu.SMEM((1,), jnp.float32),
                            pltpu.VMEM((nq_c, 256), jnp.float32)],
        )(qc, mem_p)

        cand = pl.kernel(
            functools.partial(_select_kernel, n_q=nq_c, k_pad=k_pad,
                              n_groups=n_groups, rows_per_w=rows_per_w),
            mesh=mesh,
            out_type=jax.ShapeDtypeStruct((nq_c, NSEL, SC_LANES),
                                          jnp.float32),
            scratch_types=[
                pltpu.VMEM((2, n_groups), jnp.float32),
                pltpu.VMEM((max(rows_per_w, SC_LANES),), jnp.float32),
                pltpu.VMEM((CAPV * SC_LANES,), jnp.float32),
                pltpu.VMEM((CAPV * SC_LANES,), jnp.int32),
                pltpu.VMEM((CAPV,), jnp.float32),
                pltpu.VMEM((NSEL, SC_LANES), jnp.float32),
                pltpu.VMEM((2, NSEL, SC_LANES), jnp.float32),
                pltpu.SemaphoreType.DMA,
                pltpu.SemaphoreType.DMA,
                pltpu.SemaphoreType.DMA,
            ],
        )(gm, tau.reshape(-1), d2.reshape(-1))
        cands.append(cand.reshape(nq_c, NSEL * SC_LANES))
        tots.append(tot)

    tot = tots[0]
    for t in tots[1:]:
        tot = tot + t
    cand_all = jnp.concatenate(cands, axis=0)

    out = pl.pallas_call(
        functools.partial(_final_kernel, n_q=n_q, n_k=n_k),
        in_specs=[
            pl.BlockSpec((n_q, NSEL * SC_LANES), lambda: (0, 0)),
            pl.BlockSpec(memory_space=pltpu.SMEM),
        ],
        out_specs=pl.BlockSpec((n_q, 1), lambda: (0, 0)),
        out_shape=jax.ShapeDtypeStruct((n_q, 1), jnp.float32),
        scratch_shapes=[pltpu.VMEM((n_q, NSEL * SC_LANES), jnp.float32)],
    )(cand_all, tot)
    return out[:, 0]


def kernel(queries, memory):
    return _episodic_reward(queries, memory)

# --- scband reference (transcript-rebuilt; emitter-appended) ---
"""Pipeline reference for scband-episodic-memory-979252544455 (READ-ONLY COPY).

The authoritative reference and input builder live on the scoring server;
editing this copy changes nothing except your own understanding.
"""

import jax, jax.numpy as jnp
import numpy as np

N_NEIGHBORS = 32
EPSILON = 1e-5
DENOM_CONST = 1e-5


def setup_inputs(seed: int = 0) -> dict:
    key = jax.random.key(seed)
    k1, k2 = jax.random.split(key)
    queries = jax.random.normal(k1, (1024, 128), dtype=jnp.float32)
    memory = jax.random.normal(k2, (100000, 128), dtype=jnp.float32)
    return {"queries": queries, "memory": memory}


def reference(queries, memory):
    # Pairwise squared euclidean distances between current embeddings (queries)
    # and the episodic memory bank: ||q||^2 + ||m||^2 - 2 q.m
    q2 = jnp.sum(queries * queries, axis=1, keepdims=True)      # [Q, 1]
    m2 = jnp.sum(memory * memory, axis=1)                        # [K]
    d2 = q2 + m2[None, :] - 2.0 * (queries @ memory.T)           # [Q, K]
    d2 = jnp.maximum(d2, 0.0)

    # RunningMean of squared distances (batched analogue of the streaming mean
    # maintained by _inverse_kernel via k_squared_distance_running_mean)
    running_mean = jnp.mean(d2)

    # Nearest neighbors under the inverse kernel metric: the kernel
    # eps / (d2 / mean + eps) is monotonically decreasing in d2, so the
    # n_neighbors with smallest squared distance are the kernel-nearest ones.
    neg_top, nn_idx = jax.lax.top_k(-d2, N_NEIGHBORS)            # [Q, n_neighbors]
    nn_d2 = -neg_top

    # _inverse_kernel applied to the selected neighbors
    kernel_vals = EPSILON / (nn_d2 / running_mean + EPSILON)     # [Q, n_neighbors]

    # _episodic_reward: 1 / sqrt(sum(neighbor kernel distances) + c)
    reward = 1.0 / jnp.sqrt(jnp.sum(kernel_vals, axis=1) + DENOM_CONST)  # [Q]
    return reward

if __name__ == "__main__":
    import jax
    _d = setup_inputs()
    print(jax.jit(kernel)(*tuple(_d.values())))

</pallas_src>

<mosaic_0001>
#map = affine_map<(d0, d1) -> (0, 0)>
#map1 = affine_map<(d0, d1) -> (0)>
#map2 = affine_map<(d0, d1) -> (0, 0, 0)>
module attributes {stable_mosaic.version = 14 : i64} {
  func.func @_select_kernel(%arg0: i32, %arg1: i32, %arg2: memref<1024x6272xf32, #tpu.memory_space<hbm>>, %arg3: memref<1024xf32, #tpu.memory_space<hbm>>, %arg4: memref<102760448xf32, #tpu.memory_space<hbm>>, %arg5: memref<1024x36x16xf32, #tpu.memory_space<hbm>>, %arg6: memref<2x6272xf32, #tpu.memory_space<vmem>>, %arg7: memref<32xf32, #tpu.memory_space<vmem>>, %arg8: memref<2560xf32, #tpu.memory_space<vmem>>, %arg9: memref<2560xi32, #tpu.memory_space<vmem>>, %arg10: memref<160xf32, #tpu.memory_space<vmem>>, %arg11: memref<36x16xf32, #tpu.memory_space<vmem>>, %arg12: memref<2x36x16xf32, #tpu.memory_space<vmem>>, %arg13: memref<!tpu.dma_semaphore, #tpu.memory_space<semaphore_mem>>, %arg14: memref<!tpu.dma_semaphore, #tpu.memory_space<semaphore_mem>>, %arg15: memref<!tpu.dma_semaphore, #tpu.memory_space<semaphore_mem>>) attributes {dimension_semantics = [#tpu.dimension_semantics<core_parallel>, #tpu.dimension_semantics<subcore_parallel>], iteration_bounds = array<i64: 2, 16>, scalar_prefetch = 0 : i64, scratch_operands = 10 : i64, tpu.core_type = #tpu.core_type<sc_vector_subcore>, window_params = [{transform_indices = #map}, {transform_indices = #map1}, {transform_indices = #map1}, {transform_indices = #map2}]} {
    %mul3A = arith.constant 2 : i32
    %mul3A_0 = arith.muli %arg1, %mul3A : i32
    %add3A = arith.addi %mul3A_0, %arg0 : i32
    %broadcast_in_dim3A = arith.constant 3.000000e+38 : f32
    %broadcast_in_dim3A_1 = vector.broadcast %broadcast_in_dim3A : f32 to vector<16xf32>
    %iota3A = tpu.iota {dimensions = array<i32: 0>} : vector<16xi32>
    %mul3A_2 = arith.constant 32 : i32
    %mul3A_3 = arith.muli %add3A, %mul3A_2 : i32
    "tpu.region"() ({
      %run_scoped3A = tpu.sem_alloc : memref<!tpu.dma_semaphore, #tpu.memory_space<semaphore_mem>>
      %dma_start3A_62 = arith.constant 0 : i32
      %dma_start3A_63 = tpu.memref_slice %arg7[%dma_start3A_62] : memref<32xf32, #tpu.memory_space<vmem>> -> memref<32xf32, #tpu.memory_space<vmem>>
      %dma_start3A_64 = tpu.memref_slice %arg3[%mul3A_3] : memref<1024xf32, #tpu.memory_space<hbm>> -> memref<32xf32, #tpu.memory_space<hbm>>
      %dma_start3A_65 = arith.constant 0 : i32
      %dma_start3A_66 = tpu.memref_slice %arg7[%dma_start3A_65] : memref<32xf32, #tpu.memory_space<vmem>> -> memref<32xf32, #tpu.memory_space<vmem>>
      %dma_start3A_67 = tpu.memref_slice %arg3[%mul3A_3] : memref<1024xf32, #tpu.memory_space<hbm>> -> memref<32xf32, #tpu.memory_space<hbm>>
      tpu.enqueue_dma source(%dma_start3A_67 : memref<32xf32, #tpu.memory_space<hbm>>) target(%dma_start3A_66 : memref<32xf32, #tpu.memory_space<vmem>>) target_semaphore(%run_scoped3A : memref<!tpu.dma_semaphore, #tpu.memory_space<semaphore_mem>>)
      %dma_wait3A_68 = arith.constant 0 : i32
      %dma_wait3A_69 = tpu.memref_slice %arg7[%dma_wait3A_68] : memref<32xf32, #tpu.memory_space<vmem>> -> memref<32xf32, #tpu.memory_space<vmem>>
      %dma_wait3A_70 = tpu.memref_slice %arg3[%mul3A_3] : memref<1024xf32, #tpu.memory_space<hbm>> -> memref<32xf32, #tpu.memory_space<hbm>>
      %dma_wait3A_71 = arith.constant 0 : i32
      %dma_wait3A_72 = tpu.memref_slice %arg7[%dma_wait3A_71] : memref<32xf32, #tpu.memory_space<vmem>> -> memref<32xf32, #tpu.memory_space<vmem>>
      %dma_wait3A_73 = tpu.memref_slice %arg3[%mul3A_3] : memref<1024xf32, #tpu.memory_space<hbm>> -> memref<32xf32, #tpu.memory_space<hbm>>
      tpu.wait_dma2 semaphore(%run_scoped3A : memref<!tpu.dma_semaphore, #tpu.memory_space<semaphore_mem>>) src(%dma_wait3A_73 : memref<32xf32, #tpu.memory_space<hbm>>) dst(%dma_wait3A_72 : memref<32xf32, #tpu.memory_space<vmem>>)
      tpu.yield
    }) : () -> ()
    %dma_start3A = arith.constant 0 : i32
    %dma_start3A_4 = arith.constant 0 : i32
    %dma_start3A_5 = tpu.memref_slice %arg6[%dma_start3A, %dma_start3A_4] : memref<2x6272xf32, #tpu.memory_space<vmem>> -> memref<1x6272xf32, #tpu.memory_space<vmem>>
    %dma_start3A_6 = tpu.memref_squeeze %dma_start3A_5 : memref<1x6272xf32, #tpu.memory_space<vmem>> -> memref<6272xf32, #tpu.memory_space<vmem>>
    %dma_start3A_7 = arith.constant 0 : i32
    %dma_start3A_8 = tpu.memref_slice %arg2[%mul3A_3, %dma_start3A_7] : memref<1024x6272xf32, #tpu.memory_space<hbm>> -> memref<1x6272xf32, #tpu.memory_space<hbm>>
    %dma_start3A_9 = tpu.memref_squeeze %dma_start3A_8 : memref<1x6272xf32, #tpu.memory_space<hbm>> -> memref<6272xf32, #tpu.memory_space<hbm>>
    %dma_start3A_10 = arith.constant 0 : i32
    %dma_start3A_11 = tpu.memref_slice %arg6[%dma_start3A, %dma_start3A_10] : memref<2x6272xf32, #tpu.memory_space<vmem>> -> memref<1x6272xf32, #tpu.memory_space<vmem>>
    %dma_start3A_12 = tpu.memref_squeeze %dma_start3A_11 : memref<1x6272xf32, #tpu.memory_space<vmem>> -> memref<6272xf32, #tpu.memory_space<vmem>>
    %dma_start3A_13 = arith.constant 0 : i32
    %dma_start3A_14 = tpu.memref_slice %arg2[%mul3A_3, %dma_start3A_13] : memref<1024x6272xf32, #tpu.memory_space<hbm>> -> memref<1x6272xf32, #tpu.memory_space<hbm>>
    %dma_start3A_15 = tpu.memref_squeeze %dma_start3A_14 : memref<1x6272xf32, #tpu.memory_space<hbm>> -> memref<6272xf32, #tpu.memory_space<hbm>>
    tpu.enqueue_dma source(%dma_start3A_15 : memref<6272xf32, #tpu.memory_space<hbm>>) target(%dma_start3A_12 : memref<6272xf32, #tpu.memory_space<vmem>>) target_semaphore(%arg13 : memref<!tpu.dma_semaphore, #tpu.memory_space<semaphore_mem>>)
    %scan3A = arith.constant 0 : i32
    %scan3A_16 = arith.constant 0 : i32
    %scan3A_17 = arith.constant 32 : i32
    %scan3A_18 = arith.addi %scan3A_16, %scan3A_17 : i32
    %scan3A_19 = arith.constant 1 : i32
    %scan3A_20 = scf.for %scan3A_62 = %scan3A_16 to %scan3A_18 step %scan3A_19 iter_args(%scan3A_63 = %scan3A) -> (i32)  : i32 {
      %add3A_64 = arith.addi %mul3A_3, %scan3A_62 : i32
      %and3A = arith.constant 1 : i32
      %and3A_65 = arith.andi %scan3A_62, %and3A : i32
      %dma_wait3A_66 = arith.constant 0 : i32
      %dma_wait3A_67 = tpu.memref_slice %arg6[%and3A_65, %dma_wait3A_66] : memref<2x6272xf32, #tpu.memory_space<vmem>> -> memref<1x6272xf32, #tpu.memory_space<vmem>>
      %dma_wait3A_68 = tpu.memref_squeeze %dma_wait3A_67 : memref<1x6272xf32, #tpu.memory_space<vmem>> -> memref<6272xf32, #tpu.memory_space<vmem>>
      %dma_wait3A_69 = arith.constant 0 : i32
      %dma_wait3A_70 = tpu.memref_slice %arg2[%add3A_64, %dma_wait3A_69] : memref<1024x6272xf32, #tpu.memory_space<hbm>> -> memref<1x6272xf32, #tpu.memory_space<hbm>>
      %dma_wait3A_71 = tpu.memref_squeeze %dma_wait3A_70 : memref<1x6272xf32, #tpu.memory_space<hbm>> -> memref<6272xf32, #tpu.memory_space<hbm>>
      %dma_wait3A_72 = arith.constant 0 : i32
      %dma_wait3A_73 = tpu.memref_slice %arg6[%and3A_65, %dma_wait3A_72] : memref<2x6272xf32, #tpu.memory_space<vmem>> -> memref<1x6272xf32, #tpu.memory_space<vmem>>
      %dma_wait3A_74 = tpu.memref_squeeze %dma_wait3A_73 : memref<1x6272xf32, #tpu.memory_space<vmem>> -> memref<6272xf32, #tpu.memory_space<vmem>>
      %dma_wait3A_75 = arith.constant 0 : i32
      %dma_wait3A_76 = tpu.memref_slice %arg2[%add3A_64, %dma_wait3A_75] : memref<1024x6272xf32, #tpu.memory_space<hbm>> -> memref<1x6272xf32, #tpu.memory_space<hbm>>
      %dma_wait3A_77 = tpu.memref_squeeze %dma_wait3A_76 : memref<1x6272xf32, #tpu.memory_space<hbm>> -> memref<6272xf32, #tpu.memory_space<hbm>>
      tpu.wait_dma2 semaphore(%arg13 : memref<!tpu.dma_semaphore, #tpu.memory_space<semaphore_mem>>) src(%dma_wait3A_77 : memref<6272xf32, #tpu.memory_space<hbm>>) dst(%dma_wait3A_74 : memref<6272xf32, #tpu.memory_space<vmem>>)
      %add3A_78 = arith.constant 1 : i32
      %add3A_79 = arith.addi %scan3A_62, %add3A_78 : i32
      %lt3A = arith.constant 32 : i32
      %lt3A_80 = arith.cmpi slt, %add3A_79, %lt3A : i32
      %convert_element_type3A = arith.extui %lt3A_80 : i1 to i32
      %cond3A = arith.constant 0 : i32
      %cond3A_81 = arith.cmpi ne, %convert_element_type3A, %cond3A : i32
      scf.if %cond3A_81 {
        %add3A_157 = arith.constant 1 : i32
        %add3A_158 = arith.addi %add3A_64, %add3A_157 : i32
        %sub3A_159 = arith.constant 1 : i32
        %sub3A_160 = arith.subi %sub3A_159, %and3A_65 : i32
        %dma_start3A_161 = arith.constant 0 : i32
        %dma_start3A_162 = tpu.memref_slice %arg6[%sub3A_160, %dma_start3A_161] : memref<2x6272xf32, #tpu.memory_space<vmem>> -> memref<1x6272xf32, #tpu.memory_space<vmem>>
        %dma_start3A_163 = tpu.memref_squeeze %dma_start3A_162 : memref<1x6272xf32, #tpu.memory_space<vmem>> -> memref<6272xf32, #tpu.memory_space<vmem>>
        %dma_start3A_164 = arith.constant 0 : i32
        %dma_start3A_165 = tpu.memref_slice %arg2[%add3A_158, %dma_start3A_164] : memref<1024x6272xf32, #tpu.memory_space<hbm>> -> memref<1x6272xf32, #tpu.memory_space<hbm>>
        %dma_start3A_166 = tpu.memref_squeeze %dma_start3A_165 : memref<1x6272xf32, #tpu.memory_space<hbm>> -> memref<6272xf32, #tpu.memory_space<hbm>>
        %dma_start3A_167 = arith.constant 0 : i32
        %dma_start3A_168 = tpu.memref_slice %arg6[%sub3A_160, %dma_start3A_167] : memref<2x6272xf32, #tpu.memory_space<vmem>> -> memref<1x6272xf32, #tpu.memory_space<vmem>>
        %dma_start3A_169 = tpu.memref_squeeze %dma_start3A_168 : memref<1x6272xf32, #tpu.memory_space<vmem>> -> memref<6272xf32, #tpu.memory_space<vmem>>
        %dma_start3A_170 = arith.constant 0 : i32
        %dma_start3A_171 = tpu.memref_slice %arg2[%add3A_158, %dma_start3A_170] : memref<1024x6272xf32, #tpu.memory_space<hbm>> -> memref<1x6272xf32, #tpu.memory_space<hbm>>
        %dma_start3A_172 = tpu.memref_squeeze %dma_start3A_171 : memref<1x6272xf32, #tpu.memory_space<hbm>> -> memref<6272xf32, #tpu.memory_space<hbm>>
        tpu.enqueue_dma source(%dma_start3A_172 : memref<6272xf32, #tpu.memory_space<hbm>>) target(%dma_start3A_169 : memref<6272xf32, #tpu.memory_space<vmem>>) target_semaphore(%arg13 : memref<!tpu.dma_semaphore, #tpu.memory_space<semaphore_mem>>)
      } else {
      }
      %shift_right_arithmetic3A = arith.constant 4 : i32
      %shift_right_arithmetic3A_82 = arith.shrsi %scan3A_62, %shift_right_arithmetic3A : i32
      %mul3A_83 = arith.constant 16 : i32
      %mul3A_84 = arith.muli %shift_right_arithmetic3A_82, %mul3A_83 : i32
      %get3A = arith.index_cast %mul3A_84 : i32 to index
      %get3A_85 = tpu.vector_load %arg7[%get3A] {strides = array<i32>} : memref<32xf32, #tpu.memory_space<vmem>>, vector<16xf32>,
      %get3A_86 = vector.shape_cast %get3A_85 : vector<16xf32> to vector<16xf32>
      %and3A_87 = arith.constant 15 : i32
      %and3A_88 = arith.andi %scan3A_62, %and3A_87 : i32
      %add3A_89 = vector.broadcast %and3A_88 : i32 to vector<16xi32>
      %add3A_90 = arith.addi %iota3A, %add3A_89 : vector<16xi32>
      %and3A_91 = arith.constant 15 : i32
      %and3A_92 = vector.broadcast %and3A_91 : i32 to vector<16xi32>
      %and3A_93 = arith.andi %add3A_90, %and3A_92 : vector<16xi32>
      %lt3A_94 = arith.constant 0 : i32
      %lt3A_95 = vector.broadcast %lt3A_94 : i32 to vector<16xi32>
      %lt3A_96 = arith.cmpi slt, %and3A_93, %lt3A_95 : vector<16xi32>
      %add3A_97 = arith.constant 16 : i32
      %add3A_98 = vector.broadcast %add3A_97 : i32 to vector<16xi32>
      %add3A_99 = arith.addi %and3A_93, %add3A_98 : vector<16xi32>
      %select_n3A = arith.select %lt3A_96, %add3A_99, %and3A_93 : vector<16xi1>, vector<16xi32>
      %broadcast_in_dim3A_100 = vector.shape_cast %select_n3A : vector<16xi32> to vector<16x1xi32>
      %gather3A = vector.shape_cast %broadcast_in_dim3A_100 : vector<16x1xi32> to vector<16xi32>
      %gather3A_101 = tpu.dynamic_gather %get3A_86[%gather3A] in [0] : vector<16xf32>, vector<16xi32> -> vector<16xf32>
      %slice3A = vector.extract_strided_slice %gather3A_101 {offsets = [0], sizes = [1], strides = [1]} : vector<16xf32> to vector<1xf32>
      %squeeze3A = vector.extract %slice3A[0] : f32 from vector<1xf32>
      %ge3A = arith.constant 2 : i32
      %ge3A_102 = arith.cmpi sge, %scan3A_62, %ge3A : i32
      %convert_element_type3A_103 = arith.extui %ge3A_102 : i1 to i32
      %cond3A_104 = arith.constant 0 : i32
      %cond3A_105 = arith.cmpi ne, %convert_element_type3A_103, %cond3A_104 : i32
      scf.if %cond3A_105 {
        %sub3A_157 = arith.constant 2 : i32
        %sub3A_158 = arith.subi %add3A_64, %sub3A_157 : i32
        %dma_wait3A_159 = arith.constant 0 : i32
        %dma_wait3A_160 = arith.constant 0 : i32
        %dma_wait3A_161 = tpu.memref_slice %arg12[%and3A_65, %dma_wait3A_159, %dma_wait3A_160] : memref<2x36x16xf32, #tpu.memory_space<vmem>> -> memref<1x36x16xf32, #tpu.memory_space<vmem>>
        %dma_wait3A_162 = tpu.memref_squeeze %dma_wait3A_161 : memref<1x36x16xf32, #tpu.memory_space<vmem>> -> memref<36x16xf32, #tpu.memory_space<vmem>>
        %dma_wait3A_163 = arith.constant 0 : i32
        %dma_wait3A_164 = arith.constant 0 : i32
        %dma_wait3A_165 = tpu.memref_slice %arg5[%sub3A_158, %dma_wait3A_163, %dma_wait3A_164] : memref<1024x36x16xf32, #tpu.memory_space<hbm>> -> memref<1x36x16xf32, #tpu.memory_space<hbm>>
        %dma_wait3A_166 = tpu.memref_squeeze %dma_wait3A_165 : memref<1x36x16xf32, #tpu.memory_space<hbm>> -> memref<36x16xf32, #tpu.memory_space<hbm>>
        %dma_wait3A_167 = arith.constant 0 : i32
        %dma_wait3A_168 = arith.constant 0 : i32
        %dma_wait3A_169 = tpu.memref_slice %arg5[%sub3A_158, %dma_wait3A_167, %dma_wait3A_168] : memref<1024x36x16xf32, #tpu.memory_space<hbm>> -> memref<1x36x16xf32, #tpu.memory_space<hbm>>
        %dma_wait3A_170 = tpu.memref_squeeze %dma_wait3A_169 : memref<1x36x16xf32, #tpu.memory_space<hbm>> -> memref<36x16xf32, #tpu.memory_space<hbm>>
        %dma_wait3A_171 = arith.constant 0 : i32
        %dma_wait3A_172 = arith.constant 0 : i32
        %dma_wait3A_173 = tpu.memref_slice %arg12[%and3A_65, %dma_wait3A_171, %dma_wait3A_172] : memref<2x36x16xf32, #tpu.memory_space<vmem>> -> memref<1x36x16xf32, #tpu.memory_space<vmem>>
        %dma_wait3A_174 = tpu.memref_squeeze %dma_wait3A_173 : memref<1x36x16xf32, #tpu.memory_space<vmem>> -> memref<36x16xf32, #tpu.memory_space<vmem>>
        tpu.wait_dma2 semaphore(%arg15 : memref<!tpu.dma_semaphore, #tpu.memory_space<semaphore_mem>>) src(%dma_wait3A_174 : memref<36x16xf32, #tpu.memory_space<vmem>>) dst(%dma_wait3A_170 : memref<36x16xf32, #tpu.memory_space<hbm>>)
      } else {
      }
      %scan3A_106 = arith.constant 0 : i32
      %scan3A_107 = arith.constant 0 : i32
      %scan3A_108 = arith.constant 10 : i32
      %scan3A_109 = arith.addi %scan3A_107, %scan3A_108 : i32
      %scan3A_110 = arith.constant 1 : i32
      scf.for %scan3A_157 = %scan3A_107 to %scan3A_109 step %scan3A_110  : i32 {
        %mul3A_158 = arith.constant 16 : i32
        %mul3A_159 = arith.muli %scan3A_157, %mul3A_158 : i32
        %swap3A = arith.index_cast %mul3A_159 : i32 to index
        %swap3A_160 = tpu.vector_load %arg10[%swap3A] {strides = array<i32>} : memref<160xf32, #tpu.memory_space<vmem>>, vector<16xf32>,
        %swap3A_161 = vector.shape_cast %swap3A_160 : vector<16xf32> to vector<16xf32>
        %swap3A_162 = vector.shape_cast %broadcast_in_dim3A_1 : vector<16xf32> to vector<16xf32>
        tpu.vector_store %arg10[%swap3A], %swap3A_162 {strides = array<i32>} : memref<160xf32, #tpu.memory_space<vmem>>, vector<16xf32>,
      }
      %scan3A_111 = arith.constant 10 : i32
      %scan3A_112 = arith.constant 0 : i32
      %scan3A_113 = arith.constant 0 : i32
      %scan3A_114 = arith.constant 98 : i32
      %scan3A_115 = arith.addi %scan3A_113, %scan3A_114 : i32
      %scan3A_116 = arith.constant 1 : i32
      %scan3A_117 = scf.for %scan3A_157 = %scan3A_113 to %scan3A_115 step %scan3A_116 iter_args(%scan3A_158 = %scan3A_112) -> (i32)  : i32 {
        %mul3A_159 = arith.constant 4 : i32
        %mul3A_160 = arith.muli %scan3A_157, %mul3A_159 : i32
        %add3A_161 = arith.constant 0 : i32
        %add3A_162 = arith.addi %mul3A_160, %add3A_161 : i32
        %mul3A_163 = arith.constant 16 : i32
        %mul3A_164 = arith.muli %add3A_162, %mul3A_163 : i32
        %get3A_165 = arith.constant 0 : i32
        %get3A_166 = tpu.memref_slice %arg6[%and3A_65, %get3A_165] : memref<2x6272xf32, #tpu.memory_space<vmem>> -> memref<1x6272xf32, #tpu.memory_space<vmem>>
        %get3A_167 = tpu.memref_squeeze %get3A_166 : memref<1x6272xf32, #tpu.memory_space<vmem>> -> memref<6272xf32, #tpu.memory_space<vmem>>
        %get3A_168 = arith.index_cast %mul3A_164 : i32 to index
        %get3A_169 = tpu.vector_load %get3A_167[%get3A_168] {strides = array<i32>} : memref<6272xf32, #tpu.memory_space<vmem>>, vector<16xf32>,
        %get3A_170 = vector.shape_cast %get3A_169 : vector<16xf32> to vector<16xf32>
        %mul3A_171 = arith.constant 4 : i32
        %mul3A_172 = arith.muli %scan3A_157, %mul3A_171 : i32
        %add3A_173 = arith.constant 1 : i32
        %add3A_174 = arith.addi %mul3A_172, %add3A_173 : i32
        %mul3A_175 = arith.constant 16 : i32
        %mul3A_176 = arith.muli %add3A_174, %mul3A_175 : i32
        %get3A_177 = arith.constant 0 : i32
        %get3A_178 = tpu.memref_slice %arg6[%and3A_65, %get3A_177] : memref<2x6272xf32, #tpu.memory_space<vmem>> -> memref<1x6272xf32, #tpu.memory_space<vmem>>
        %get3A_179 = tpu.memref_squeeze %get3A_178 : memref<1x6272xf32, #tpu.memory_space<vmem>> -> memref<6272xf32, #tpu.memory_space<vmem>>
        %get3A_180 = arith.index_cast %mul3A_176 : i32 to index
        %get3A_181 = tpu.vector_load %get3A_179[%get3A_180] {strides = array<i32>} : memref<6272xf32, #tpu.memory_space<vmem>>, vector<16xf32>,
        %get3A_182 = vector.shape_cast %get3A_181 : vector<16xf32> to vector<16xf32>
        %mul3A_183 = arith.constant 4 : i32
        %mul3A_184 = arith.muli %scan3A_157, %mul3A_183 : i32
        %add3A_185 = arith.constant 2 : i32
        %add3A_186 = arith.addi %mul3A_184, %add3A_185 : i32
        %mul3A_187 = arith.constant 16 : i32
        %mul3A_188 = arith.muli %add3A_186, %mul3A_187 : i32
        %get3A_189 = arith.constant 0 : i32
        %get3A_190 = tpu.memref_slice %arg6[%and3A_65, %get3A_189] : memref<2x6272xf32, #tpu.memory_space<vmem>> -> memref<1x6272xf32, #tpu.memory_space<vmem>>
        %get3A_191 = tpu.memref_squeeze %get3A_190 : memref<1x6272xf32, #tpu.memory_space<vmem>> -> memref<6272xf32, #tpu.memory_space<vmem>>
        %get3A_192 = arith.index_cast %mul3A_188 : i32 to index
        %get3A_193 = tpu.vector_load %get3A_191[%get3A_192] {strides = array<i32>} : memref<6272xf32, #tpu.memory_space<vmem>>, vector<16xf32>,
        %get3A_194 = vector.shape_cast %get3A_193 : vector<16xf32> to vector<16xf32>
        %mul3A_195 = arith.constant 4 : i32
        %mul3A_196 = arith.muli %scan3A_157, %mul3A_195 : i32
        %add3A_197 = arith.constant 3 : i32
        %add3A_198 = arith.addi %mul3A_196, %add3A_197 : i32
        %mul3A_199 = arith.constant 16 : i32
        %mul3A_200 = arith.muli %add3A_198, %mul3A_199 : i32
        %get3A_201 = arith.constant 0 : i32
        %get3A_202 = tpu.memref_slice %arg6[%and3A_65, %get3A_201] : memref<2x6272xf32, #tpu.memory_space<vmem>> -> memref<1x6272xf32, #tpu.memory_space<vmem>>
        %get3A_203 = tpu.memref_squeeze %get3A_202 : memref<1x6272xf32, #tpu.memory_space<vmem>> -> memref<6272xf32, #tpu.memory_space<vmem>>
        %get3A_204 = arith.index_cast %mul3A_200 : i32 to index
        %get3A_205 = tpu.vector_load %get3A_203[%get3A_204] {strides = array<i32>} : memref<6272xf32, #tpu.memory_space<vmem>>, vector<16xf32>,
        %get3A_206 = vector.shape_cast %get3A_205 : vector<16xf32> to vector<16xf32>
        %min3A = arith.minimumf %get3A_170, %get3A_182 : vector<16xf32>
        %min3A_207 = arith.minimumf %get3A_194, %get3A_206 : vector<16xf32>
        %min3A_208 = arith.minimumf %min3A, %min3A_207 : vector<16xf32>
        %xor3A = arith.constant 8 : i32
        %xor3A_209 = vector.broadcast %xor3A : i32 to vector<16xi32>
        %xor3A_210 = arith.xori %iota3A, %xor3A_209 : vector<16xi32>
        %lt3A_211 = arith.constant 0 : i32
        %lt3A_212 = vector.broadcast %lt3A_211 : i32 to vector<16xi32>
        %lt3A_213 = arith.cmpi slt, %xor3A_210, %lt3A_212 : vector<16xi32>
        %add3A_214 = arith.constant 16 : i32
        %add3A_215 = vector.broadcast %add3A_214 : i32 to vector<16xi32>
        %add3A_216 = arith.addi %xor3A_210, %add3A_215 : vector<16xi32>
        %select_n3A_217 = arith.select %lt3A_213, %add3A_216, %xor3A_210 : vector<16xi1>, vector<16xi32>
        %broadcast_in_dim3A_218 = vector.shape_cast %select_n3A_217 : vector<16xi32> to vector<16x1xi32>
        %gather3A_219 = vector.shape_cast %broadcast_in_dim3A_218 : vector<16x1xi32> to vector<16xi32>
        %gather3A_220 = tpu.dynamic_gather %min3A_208[%gather3A_219] in [0] : vector<16xf32>, vector<16xi32> -> vector<16xf32>
        %min3A_221 = arith.minimumf %min3A_208, %gather3A_220 : vector<16xf32>
        %xor3A_222 = arith.constant 4 : i32
        %xor3A_223 = vector.broadcast %xor3A_222 : i32 to vector<16xi32>
        %xor3A_224 = arith.xori %iota3A, %xor3A_223 : vector<16xi32>
        %lt3A_225 = arith.constant 0 : i32
        %lt3A_226 = vector.broadcast %lt3A_225 : i32 to vector<16xi32>
        %lt3A_227 = arith.cmpi slt, %xor3A_224, %lt3A_226 : vector<16xi32>
        %add3A_228 = arith.constant 16 : i32
        %add3A_229 = vector.broadcast %add3A_228 : i32 to vector<16xi32>
        %add3A_230 = arith.addi %xor3A_224, %add3A_229 : vector<16xi32>
        %select_n3A_231 = arith.select %lt3A_227, %add3A_230, %xor3A_224 : vector<16xi1>, vector<16xi32>
        %broadcast_in_dim3A_232 = vector.shape_cast %select_n3A_231 : vector<16xi32> to vector<16x1xi32>
        %gather3A_233 = vector.shape_cast %broadcast_in_dim3A_232 : vector<16x1xi32> to vector<16xi32>
        %gather3A_234 = tpu.dynamic_gather %min3A_221[%gather3A_233] in [0] : vector<16xf32>, vector<16xi32> -> vector<16xf32>
        %min3A_235 = arith.minimumf %min3A_221, %gather3A_234 : vector<16xf32>
        %xor3A_236 = arith.constant 2 : i32
        %xor3A_237 = vector.broadcast %xor3A_236 : i32 to vector<16xi32>
        %xor3A_238 = arith.xori %iota3A, %xor3A_237 : vector<16xi32>
        %lt3A_239 = arith.constant 0 : i32
        %lt3A_240 = vector.broadcast %lt3A_239 : i32 to vector<16xi32>
        %lt3A_241 = arith.cmpi slt, %xor3A_238, %lt3A_240 : vector<16xi32>
        %add3A_242 = arith.constant 16 : i32
        %add3A_243 = vector.broadcast %add3A_242 : i32 to vector<16xi32>
        %add3A_244 = arith.addi %xor3A_238, %add3A_243 : vector<16xi32>
        %select_n3A_245 = arith.select %lt3A_241, %add3A_244, %xor3A_238 : vector<16xi1>, vector<16xi32>
        %broadcast_in_dim3A_246 = vector.shape_cast %select_n3A_245 : vector<16xi32> to vector<16x1xi32>
        %gather3A_247 = vector.shape_cast %broadcast_in_dim3A_246 : vector<16x1xi32> to vector<16xi32>
        %gather3A_248 = tpu.dynamic_gather %min3A_235[%gather3A_247] in [0] : vector<16xf32>, vector<16xi32> -> vector<16xf32>
        %min3A_249 = arith.minimumf %min3A_235, %gather3A_248 : vector<16xf32>
        %xor3A_250 = arith.constant 1 : i32
        %xor3A_251 = vector.broadcast %xor3A_250 : i32 to vector<16xi32>
        %xor3A_252 = arith.xori %iota3A, %xor3A_251 : vector<16xi32>
        %lt3A_253 = arith.constant 0 : i32
        %lt3A_254 = vector.broadcast %lt3A_253 : i32 to vector<16xi32>
        %lt3A_255 = arith.cmpi slt, %xor3A_252, %lt3A_254 : vector<16xi32>
        %add3A_256 = arith.constant 16 : i32
        %add3A_257 = vector.broadcast %add3A_256 : i32 to vector<16xi32>
        %add3A_258 = arith.addi %xor3A_252, %add3A_257 : vector<16xi32>
        %select_n3A_259 = arith.select %lt3A_255, %add3A_258, %xor3A_252 : vector<16xi1>, vector<16xi32>
        %broadcast_in_dim3A_260 = vector.shape_cast %select_n3A_259 : vector<16xi32> to vector<16x1xi32>
        %gather3A_261 = vector.shape_cast %broadcast_in_dim3A_260 : vector<16x1xi32> to vector<16xi32>
        %gather3A_262 = tpu.dynamic_gather %min3A_249[%gather3A_261] in [0] : vector<16xf32>, vector<16xi32> -> vector<16xf32>
        %min3A_263 = arith.minimumf %min3A_249, %gather3A_262 : vector<16xf32>
        %slice3A_264 = vector.extract_strided_slice %min3A_263 {offsets = [0], sizes = [1], strides = [1]} : vector<16xf32> to vector<1xf32>
        %squeeze3A_265 = vector.extract %slice3A_264[0] : f32 from vector<1xf32>
        %le3A = arith.cmpf ole, %squeeze3A_265, %squeeze3A : f32
        %convert_element_type3A_266 = arith.extui %le3A : i1 to i32
        %cond3A_267 = arith.constant 0 : i32
        %cond3A_268 = arith.cmpi ne, %convert_element_type3A_266, %cond3A_267 : i32
        %cond3A_269 = scf.if %cond3A_268 -> (i32) {
          %min3A_270 = arith.constant 156 : i32
          %min3A_271 = arith.minsi %scan3A_158, %min3A_270 : i32
          %mul3A_272 = arith.constant 16 : i32
          %mul3A_273 = arith.muli %min3A_271, %mul3A_272 : i32
          %add3A_274 = arith.constant 0 : i32
          %add3A_275 = arith.addi %mul3A_273, %add3A_274 : i32
          %swap3A = arith.index_cast %add3A_275 : i32 to index
          %swap3A_276 = tpu.vector_load %arg8[%swap3A] {strides = array<i32>} : memref<2560xf32, #tpu.memory_space<vmem>>, vector<16xf32>,
          %swap3A_277 = vector.shape_cast %swap3A_276 : vector<16xf32> to vector<16xf32>
          %swap3A_278 = vector.shape_cast %get3A_170 : vector<16xf32> to vector<16xf32>
          tpu.vector_store %arg8[%swap3A], %swap3A_278 {strides = array<i32>} : memref<2560xf32, #tpu.memory_space<vmem>>, vector<16xf32>,
          %mul3A_279 = arith.constant 4 : i32
          %mul3A_280 = arith.muli %scan3A_157, %mul3A_279 : i32
          %add3A_281 = arith.constant 0 : i32
          %add3A_282 = arith.addi %mul3A_280, %add3A_281 : i32
          %mul3A_283 = arith.constant 16 : i32
          %mul3A_284 = arith.muli %add3A_282, %mul3A_283 : i32
          %add3A_285 = vector.broadcast %mul3A_284 : i32 to vector<16xi32>
          %add3A_286 = arith.addi %add3A_285, %iota3A : vector<16xi32>
          %add3A_287 = arith.constant 0 : i32
          %add3A_288 = arith.addi %mul3A_273, %add3A_287 : i32
          %swap3A_289 = arith.index_cast %add3A_288 : i32 to index
          %swap3A_290 = tpu.vector_load %arg9[%swap3A_289] {strides = array<i32>} : memref<2560xi32, #tpu.memory_space<vmem>>, vector<16xi32>,
          %swap3A_291 = vector.shape_cast %swap3A_290 : vector<16xi32> to vector<16xi32>
          %swap3A_292 = vector.shape_cast %add3A_286 : vector<16xi32> to vector<16xi32>
          tpu.vector_store %arg9[%swap3A_289], %swap3A_292 {strides = array<i32>} : memref<2560xi32, #tpu.memory_space<vmem>>, vector<16xi32>,
          %add3A_293 = arith.constant 0 : i32
          %add3A_294 = arith.addi %min3A_271, %add3A_293 : i32
          %xor3A_295 = arith.constant 8 : i32
          %xor3A_296 = vector.broadcast %xor3A_295 : i32 to vector<16xi32>
          %xor3A_297 = arith.xori %iota3A, %xor3A_296 : vector<16xi32>
          %lt3A_298 = arith.constant 0 : i32
          %lt3A_299 = vector.broadcast %lt3A_298 : i32 to vector<16xi32>
          %lt3A_300 = arith.cmpi slt, %xor3A_297, %lt3A_299 : vector<16xi32>
          %add3A_301 = arith.constant 16 : i32
          %add3A_302 = vector.broadcast %add3A_301 : i32 to vector<16xi32>
          %add3A_303 = arith.addi %xor3A_297, %add3A_302 : vector<16xi32>
          %select_n3A_304 = arith.select %lt3A_300, %add3A_303, %xor3A_297 : vector<16xi1>, vector<16xi32>
          %broadcast_in_dim3A_305 = vector.shape_cast %select_n3A_304 : vector<16xi32> to vector<16x1xi32>
          %gather3A_306 = vector.shape_cast %broadcast_in_dim3A_305 : vector<16x1xi32> to vector<16xi32>
          %gather3A_307 = tpu.dynamic_gather %get3A_170[%gather3A_306] in [0] : vector<16xf32>, vector<16xi32> -> vector<16xf32>
          %min3A_308 = arith.minimumf %get3A_170, %gather3A_307 : vector<16xf32>
          %xor3A_309 = arith.constant 4 : i32
          %xor3A_310 = vector.broadcast %xor3A_309 : i32 to vector<16xi32>
          %xor3A_311 = arith.xori %iota3A, %xor3A_310 : vector<16xi32>
          %lt3A_312 = arith.constant 0 : i32
          %lt3A_313 = vector.broadcast %lt3A_312 : i32 to vector<16xi32>
          %lt3A_314 = arith.cmpi slt, %xor3A_311, %lt3A_313 : vector<16xi32>
          %add3A_315 = arith.constant 16 : i32
          %add3A_316 = vector.broadcast %add3A_315 : i32 to vector<16xi32>
          %add3A_317 = arith.addi %xor3A_311, %add3A_316 : vector<16xi32>
          %select_n3A_318 = arith.select %lt3A_314, %add3A_317, %xor3A_311 : vector<16xi1>, vector<16xi32>
          %broadcast_in_dim3A_319 = vector.shape_cast %select_n3A_318 : vector<16xi32> to vector<16x1xi32>
          %gather3A_320 = vector.shape_cast %broadcast_in_dim3A_319 : vector<16x1xi32> to vector<16xi32>
          %gather3A_321 = tpu.dynamic_gather %min3A_308[%gather3A_320] in [0] : vector<16xf32>, vector<16xi32> -> vector<16xf32>
          %min3A_322 = arith.minimumf %min3A_308, %gather3A_321 : vector<16xf32>
          %xor3A_323 = arith.constant 2 : i32
          %xor3A_324 = vector.broadcast %xor3A_323 : i32 to vector<16xi32>
          %xor3A_325 = arith.xori %iota3A, %xor3A_324 : vector<16xi32>
          %lt3A_326 = arith.constant 0 : i32
          %lt3A_327 = vector.broadcast %lt3A_326 : i32 to vector<16xi32>
          %lt3A_328 = arith.cmpi slt, %xor3A_325, %lt3A_327 : vector<16xi32>
          %add3A_329 = arith.constant 16 : i32
          %add3A_330 = vector.broadcast %add3A_329 : i32 to vector<16xi32>
          %add3A_331 = arith.addi %xor3A_325, %add3A_330 : vector<16xi32>
          %select_n3A_332 = arith.select %lt3A_328, %add3A_331, %xor3A_325 : vector<16xi1>, vector<16xi32>
          %broadcast_in_dim3A_333 = vector.shape_cast %select_n3A_332 : vector<16xi32> to vector<16x1xi32>
          %gather3A_334 = vector.shape_cast %broadcast_in_dim3A_333 : vector<16x1xi32> to vector<16xi32>
          %gather3A_335 = tpu.dynamic_gather %min3A_322[%gather3A_334] in [0] : vector<16xf32>, vector<16xi32> -> vector<16xf32>
          %min3A_336 = arith.minimumf %min3A_322, %gather3A_335 : vector<16xf32>
          %xor3A_337 = arith.constant 1 : i32
          %xor3A_338 = vector.broadcast %xor3A_337 : i32 to vector<16xi32>
          %xor3A_339 = arith.xori %iota3A, %xor3A_338 : vector<16xi32>
          %lt3A_340 = arith.constant 0 : i32
          %lt3A_341 = vector.broadcast %lt3A_340 : i32 to vector<16xi32>
          %lt3A_342 = arith.cmpi slt, %xor3A_339, %lt3A_341 : vector<16xi32>
          %add3A_343 = arith.constant 16 : i32
          %add3A_344 = vector.broadcast %add3A_343 : i32 to vector<16xi32>
          %add3A_345 = arith.addi %xor3A_339, %add3A_344 : vector<16xi32>
          %select_n3A_346 = arith.select %lt3A_342, %add3A_345, %xor3A_339 : vector<16xi1>, vector<16xi32>
          %broadcast_in_dim3A_347 = vector.shape_cast %select_n3A_346 : vector<16xi32> to vector<16x1xi32>
          %gather3A_348 = vector.shape_cast %broadcast_in_dim3A_347 : vector<16x1xi32> to vector<16xi32>
          %gather3A_349 = tpu.dynamic_gather %min3A_336[%gather3A_348] in [0] : vector<16xf32>, vector<16xi32> -> vector<16xf32>
          %min3A_350 = arith.minimumf %min3A_336, %gather3A_349 : vector<16xf32>
          %shift_right_arithmetic3A_351 = arith.constant 4 : i32
          %shift_right_arithmetic3A_352 = arith.shrsi %add3A_294, %shift_right_arithmetic3A_351 : i32
          %mul3A_353 = arith.constant 16 : i32
          %mul3A_354 = arith.muli %shift_right_arithmetic3A_352, %mul3A_353 : i32
          %and3A_355 = arith.constant 15 : i32
          %and3A_356 = arith.andi %add3A_294, %and3A_355 : i32
          %get3A_357 = arith.index_cast %mul3A_354 : i32 to index
          %get3A_358 = tpu.vector_load %arg10[%get3A_357] {strides = array<i32>} : memref<160xf32, #tpu.memory_space<vmem>>, vector<16xf32>,
          %get3A_359 = vector.shape_cast %get3A_358 : vector<16xf32> to vector<16xf32>
          %eq3A = vector.broadcast %and3A_356 : i32 to vector<16xi32>
          %eq3A_360 = arith.cmpi eq, %iota3A, %eq3A : vector<16xi32>
          %select_n3A_361 = arith.select %eq3A_360, %min3A_350, %get3A_359 : vector<16xi1>, vector<16xf32>
          %swap3A_362 = arith.index_cast %mul3A_354 : i32 to index
          %swap3A_363 = tpu.vector_load %arg10[%swap3A_362] {strides = array<i32>} : memref<160xf32, #tpu.memory_space<vmem>>, vector<16xf32>,
          %swap3A_364 = vector.shape_cast %swap3A_363 : vector<16xf32> to vector<16xf32>
          %swap3A_365 = vector.shape_cast %select_n3A_361 : vector<16xf32> to vector<16xf32>
          tpu.vector_store %arg10[%swap3A_362], %swap3A_365 {strides = array<i32>} : memref<160xf32, #tpu.memory_space<vmem>>, vector<16xf32>,
          %add3A_366 = arith.constant 16 : i32
          %add3A_367 = arith.addi %mul3A_273, %add3A_366 : i32
          %swap3A_368 = arith.index_cast %add3A_367 : i32 to index
          %swap3A_369 = tpu.vector_load %arg8[%swap3A_368] {strides = array<i32>} : memref<2560xf32, #tpu.memory_space<vmem>>, vector<16xf32>,
          %swap3A_370 = vector.shape_cast %swap3A_369 : vector<16xf32> to vector<16xf32>
          %swap3A_371 = vector.shape_cast %get3A_182 : vector<16xf32> to vector<16xf32>
          tpu.vector_store %arg8[%swap3A_368], %swap3A_371 {strides = array<i32>} : memref<2560xf32, #tpu.memory_space<vmem>>, vector<16xf32>,
          %mul3A_372 = arith.constant 4 : i32
          %mul3A_373 = arith.muli %scan3A_157, %mul3A_372 : i32
          %add3A_374 = arith.constant 1 : i32
          %add3A_375 = arith.addi %mul3A_373, %add3A_374 : i32
          %mul3A_376 = arith.constant 16 : i32
          %mul3A_377 = arith.muli %add3A_375, %mul3A_376 : i32
          %add3A_378 = vector.broadcast %mul3A_377 : i32 to vector<16xi32>
          %add3A_379 = arith.addi %add3A_378, %iota3A : vector<16xi32>
          %add3A_380 = arith.constant 16 : i32
          %add3A_381 = arith.addi %mul3A_273, %add3A_380 : i32
          %swap3A_382 = arith.index_cast %add3A_381 : i32 to index
          %swap3A_383 = tpu.vector_load %arg9[%swap3A_382] {strides = array<i32>} : memref<2560xi32, #tpu.memory_space<vmem>>, vector<16xi32>,
          %swap3A_384 = vector.shape_cast %swap3A_383 : vector<16xi32> to vector<16xi32>
          %swap3A_385 = vector.shape_cast %add3A_379 : vector<16xi32> to vector<16xi32>
          tpu.vector_store %arg9[%swap3A_382], %swap3A_385 {strides = array<i32>} : memref<2560xi32, #tpu.memory_space<vmem>>, vector<16xi32>,
          %add3A_386 = arith.constant 1 : i32
          %add3A_387 = arith.addi %min3A_271, %add3A_386 : i32
          %xor3A_388 = arith.constant 8 : i32
          %xor3A_389 = vector.broadcast %xor3A_388 : i32 to vector<16xi32>
          %xor3A_390 = arith.xori %iota3A, %xor3A_389 : vector<16xi32>
          %lt3A_391 = arith.constant 0 : i32
          %lt3A_392 = vector.broadcast %lt3A_391 : i32 to vector<16xi32>
          %lt3A_393 = arith.cmpi slt, %xor3A_390, %lt3A_392 : vector<16xi32>
          %add3A_394 = arith.constant 16 : i32
          %add3A_395 = vector.broadcast %add3A_394 : i32 to vector<16xi32>
          %add3A_396 = arith.addi %xor3A_390, %add3A_395 : vector<16xi32>
          %select_n3A_397 = arith.select %lt3A_393, %add3A_396, %xor3A_390 : vector<16xi1>, vector<16xi32>
          %broadcast_in_dim3A_398 = vector.shape_cast %select_n3A_397 : vector<16xi32> to vector<16x1xi32>
          %gather3A_399 = vector.shape_cast %broadcast_in_dim3A_398 : vector<16x1xi32> to vector<16xi32>
          %gather3A_400 = tpu.dynamic_gather %get3A_182[%gather3A_399] in [0] : vector<16xf32>, vector<16xi32> -> vector<16xf32>
          %min3A_401 = arith.minimumf %get3A_182, %gather3A_400 : vector<16xf32>
          %xor3A_402 = arith.constant 4 : i32
          %xor3A_403 = vector.broadcast %xor3A_402 : i32 to vector<16xi32>
          %xor3A_404 = arith.xori %iota3A, %xor3A_403 : vector<16xi32>
          %lt3A_405 = arith.constant 0 : i32
          %lt3A_406 = vector.broadcast %lt3A_405 : i32 to vector<16xi32>
          %lt3A_407 = arith.cmpi slt, %xor3A_404, %lt3A_406 : vector<16xi32>
          %add3A_408 = arith.constant 16 : i32
          %add3A_409 = vector.broadcast %add3A_408 : i32 to vector<16xi32>
          %add3A_410 = arith.addi %xor3A_404, %add3A_409 : vector<16xi32>
          %select_n3A_411 = arith.select %lt3A_407, %add3A_410, %xor3A_404 : vector<16xi1>, vector<16xi32>
          %broadcast_in_dim3A_412 = vector.shape_cast %select_n3A_411 : vector<16xi32> to vector<16x1xi32>
          %gather3A_413 = vector.shape_cast %broadcast_in_dim3A_412 : vector<16x1xi32> to vector<16xi32>
          %gather3A_414 = tpu.dynamic_gather %min3A_401[%gather3A_413] in [0] : vector<16xf32>, vector<16xi32> -> vector<16xf32>
          %min3A_415 = arith.minimumf %min3A_401, %gather3A_414 : vector<16xf32>
          %xor3A_416 = arith.constant 2 : i32
          %xor3A_417 = vector.broadcast %xor3A_416 : i32 to vector<16xi32>
          %xor3A_418 = arith.xori %iota3A, %xor3A_417 : vector<16xi32>
          %lt3A_419 = arith.constant 0 : i32
          %lt3A_420 = vector.broadcast %lt3A_419 : i32 to vector<16xi32>
          %lt3A_421 = arith.cmpi slt, %xor3A_418, %lt3A_420 : vector<16xi32>
          %add3A_422 = arith.constant 16 : i32
          %add3A_423 = vector.broadcast %add3A_422 : i32 to vector<16xi32>
          %add3A_424 = arith.addi %xor3A_418, %add3A_423 : vector<16xi32>
          %select_n3A_425 = arith.select %lt3A_421, %add3A_424, %xor3A_418 : vector<16xi1>, vector<16xi32>
          %broadcast_in_dim3A_426 = vector.shape_cast %select_n3A_425 : vector<16xi32> to vector<16x1xi32>
          %gather3A_427 = vector.shape_cast %broadcast_in_dim3A_426 : vector<16x1xi32> to vector<16xi32>
          %gather3A_428 = tpu.dynamic_gather %min3A_415[%gather3A_427] in [0] : vector<16xf32>, vector<16xi32> -> vector<16xf32>
          %min3A_429 = arith.minimumf %min3A_415, %gather3A_428 : vector<16xf32>
          %xor3A_430 = arith.constant 1 : i32
          %xor3A_431 = vector.broadcast %xor3A_430 : i32 to vector<16xi32>
          %xor3A_432 = arith.xori %iota3A, %xor3A_431 : vector<16xi32>
          %lt3A_433 = arith.constant 0 : i32
          %lt3A_434 = vector.broadcast %lt3A_433 : i32 to vector<16xi32>
          %lt3A_435 = arith.cmpi slt, %xor3A_432, %lt3A_434 : vector<16xi32>
          %add3A_436 = arith.constant 16 : i32
          %add3A_437 = vector.broadcast %add3A_436 : i32 to vector<16xi32>
          %add3A_438 = arith.addi %xor3A_432, %add3A_437 : vector<16xi32>
          %select_n3A_439 = arith.select %lt3A_435, %add3A_438, %xor3A_432 : vector<16xi1>, vector<16xi32>
          %broadcast_in_dim3A_440 = vector.shape_cast %select_n3A_439 : vector<16xi32> to vector<16x1xi32>
          %gather3A_441 = vector.shape_cast %broadcast_in_dim3A_440 : vector<16x1xi32> to vector<16xi32>
          %gather3A_442 = tpu.dynamic_gather %min3A_429[%gather3A_441] in [0] : vector<16xf32>, vector<16xi32> -> vector<16xf32>
          %min3A_443 = arith.minimumf %min3A_429, %gather3A_442 : vector<16xf32>
          %shift_right_arithmetic3A_444 = arith.constant 4 : i32
          %shift_right_arithmetic3A_445 = arith.shrsi %add3A_387, %shift_right_arithmetic3A_444 : i32
          %mul3A_446 = arith.constant 16 : i32
          %mul3A_447 = arith.muli %shift_right_arithmetic3A_445, %mul3A_446 : i32
          %and3A_448 = arith.constant 15 : i32
          %and3A_449 = arith.andi %add3A_387, %and3A_448 : i32
          %get3A_450 = arith.index_cast %mul3A_447 : i32 to index
          %get3A_451 = tpu.vector_load %arg10[%get3A_450] {strides = array<i32>} : memref<160xf32, #tpu.memory_space<vmem>>, vector<16xf32>,
          %get3A_452 = vector.shape_cast %get3A_451 : vector<16xf32> to vector<16xf32>
          %eq3A_453 = vector.broadcast %and3A_449 : i32 to vector<16xi32>
          %eq3A_454 = arith.cmpi eq, %iota3A, %eq3A_453 : vector<16xi32>
          %select_n3A_455 = arith.select %eq3A_454, %min3A_443, %get3A_452 : vector<16xi1>, vector<16xf32>
          %swap3A_456 = arith.index_cast %mul3A_447 : i32 to index
          %swap3A_457 = tpu.vector_load %arg10[%swap3A_456] {strides = array<i32>} : memref<160xf32, #tpu.memory_space<vmem>>, vector<16xf32>,
          %swap3A_458 = vector.shape_cast %swap3A_457 : vector<16xf32> to vector<16xf32>
          %swap3A_459 = vector.shape_cast %select_n3A_455 : vector<16xf32> to vector<16xf32>
          tpu.vector_store %arg10[%swap3A_456], %swap3A_459 {strides = array<i32>} : memref<160xf32, #tpu.memory_space<vmem>>, vector<16xf32>,
          %add3A_460 = arith.constant 32 : i32
          %add3A_461 = arith.addi %mul3A_273, %add3A_460 : i32
          %swap3A_462 = arith.index_cast %add3A_461 : i32 to index
          %swap3A_463 = tpu.vector_load %arg8[%swap3A_462] {strides = array<i32>} : memref<2560xf32, #tpu.memory_space<vmem>>, vector<16xf32>,
          %swap3A_464 = vector.shape_cast %swap3A_463 : vector<16xf32> to vector<16xf32>
          %swap3A_465 = vector.shape_cast %get3A_194 : vector<16xf32> to vector<16xf32>
          tpu.vector_store %arg8[%swap3A_462], %swap3A_465 {strides = array<i32>} : memref<2560xf32, #tpu.memory_space<vmem>>, vector<16xf32>,
          %mul3A_466 = arith.constant 4 : i32
          %mul3A_467 = arith.muli %scan3A_157, %mul3A_466 : i32
          %add3A_468 = arith.constant 2 : i32
          %add3A_469 = arith.addi %mul3A_467, %add3A_468 : i32
          %mul3A_470 = arith.constant 16 : i32
          %mul3A_471 = arith.muli %add3A_469, %mul3A_470 : i32
          %add3A_472 = vector.broadcast %mul3A_471 : i32 to vector<16xi32>
          %add3A_473 = arith.addi %add3A_472, %iota3A : vector<16xi32>
          %add3A_474 = arith.constant 32 : i32
          %add3A_475 = arith.addi %mul3A_273, %add3A_474 : i32
          %swap3A_476 = arith.index_cast %add3A_475 : i32 to index
          %swap3A_477 = tpu.vector_load %arg9[%swap3A_476] {strides = array<i32>} : memref<2560xi32, #tpu.memory_space<vmem>>, vector<16xi32>,
          %swap3A_478 = vector.shape_cast %swap3A_477 : vector<16xi32> to vector<16xi32>
          %swap3A_479 = vector.shape_cast %add3A_473 : vector<16xi32> to vector<16xi32>
          tpu.vector_store %arg9[%swap3A_476], %swap3A_479 {strides = array<i32>} : memref<2560xi32, #tpu.memory_space<vmem>>, vector<16xi32>,
          %add3A_480 = arith.constant 2 : i32
          %add3A_481 = arith.addi %min3A_271, %add3A_480 : i32
          %xor3A_482 = arith.constant 8 : i32
          %xor3A_483 = vector.broadcast %xor3A_482 : i32 to vector<16xi32>
          %xor3A_484 = arith.xori %iota3A, %xor3A_483 : vector<16xi32>
          %lt3A_485 = arith.constant 0 : i32
          %lt3A_486 = vector.broadcast %lt3A_485 : i32 to vector<16xi32>
          %lt3A_487 = arith.cmpi slt, %xor3A_484, %lt3A_486 : vector<16xi32>
          %add3A_488 = arith.constant 16 : i32
          %add3A_489 = vector.broadcast %add3A_488 : i32 to vector<16xi32>
          %add3A_490 = arith.addi %xor3A_484, %add3A_489 : vector<16xi32>
          %select_n3A_491 = arith.select %lt3A_487, %add3A_490, %xor3A_484 : vector<16xi1>, vector<16xi32>
          %broadcast_in_dim3A_492 = vector.shape_cast %select_n3A_491 : vector<16xi32> to vector<16x1xi32>
          %gather3A_493 = vector.shape_cast %broadcast_in_dim3A_492 : vector<16x1xi32> to vector<16xi32>
          %gather3A_494 = tpu.dynamic_gather %get3A_194[%gather3A_493] in [0] : vector<16xf32>, vector<16xi32> -> vector<16xf32>
          %min3A_495 = arith.minimumf %get3A_194, %gather3A_494 : vector<16xf32>
          %xor3A_496 = arith.constant 4 : i32
          %xor3A_497 = vector.broadcast %xor3A_496 : i32 to vector<16xi32>
          %xor3A_498 = arith.xori %iota3A, %xor3A_497 : vector<16xi32>
          %lt3A_499 = arith.constant 0 : i32
          %lt3A_500 = vector.broadcast %lt3A_499 : i32 to vector<16xi32>
          %lt3A_501 = arith.cmpi slt, %xor3A_498, %lt3A_500 : vector<16xi32>
          %add3A_502 = arith.constant 16 : i32
          %add3A_503 = vector.broadcast %add3A_502 : i32 to vector<16xi32>
          %add3A_504 = arith.addi %xor3A_498, %add3A_503 : vector<16xi32>
          %select_n3A_505 = arith.select %lt3A_501, %add3A_504, %xor3A_498 : vector<16xi1>, vector<16xi32>
          %broadcast_in_dim3A_506 = vector.shape_cast %select_n3A_505 : vector<16xi32> to vector<16x1xi32>
          %gather3A_507 = vector.shape_cast %broadcast_in_dim3A_506 : vector<16x1xi32> to vector<16xi32>
          %gather3A_508 = tpu.dynamic_gather %min3A_495[%gather3A_507] in [0] : vector<16xf32>, vector<16xi32> -> vector<16xf32>
          %min3A_509 = arith.minimumf %min3A_495, %gather3A_508 : vector<16xf32>
          %xor3A_510 = arith.constant 2 : i32
          %xor3A_511 = vector.broadcast %xor3A_510 : i32 to vector<16xi32>
          %xor3A_512 = arith.xori %iota3A, %xor3A_511 : vector<16xi32>
          %lt3A_513 = arith.constant 0 : i32
          %lt3A_514 = vector.broadcast %lt3A_513 : i32 to vector<16xi32>
          %lt3A_515 = arith.cmpi slt, %xor3A_512, %lt3A_514 : vector<16xi32>
          %add3A_516 = arith.constant 16 : i32
          %add3A_517 = vector.broadcast %add3A_516 : i32 to vector<16xi32>
          %add3A_518 = arith.addi %xor3A_512, %add3A_517 : vector<16xi32>
          %select_n3A_519 = arith.select %lt3A_515, %add3A_518, %xor3A_512 : vector<16xi1>, vector<16xi32>
          %broadcast_in_dim3A_520 = vector.shape_cast %select_n3A_519 : vector<16xi32> to vector<16x1xi32>
          %gather3A_521 = vector.shape_cast %broadcast_in_dim3A_520 : vector<16x1xi32> to vector<16xi32>
          %gather3A_522 = tpu.dynamic_gather %min3A_509[%gather3A_521] in [0] : vector<16xf32>, vector<16xi32> -> vector<16xf32>
          %min3A_523 = arith.minimumf %min3A_509, %gather3A_522 : vector<16xf32>
          %xor3A_524 = arith.constant 1 : i32
          %xor3A_525 = vector.broadcast %xor3A_524 : i32 to vector<16xi32>
          %xor3A_526 = arith.xori %iota3A, %xor3A_525 : vector<16xi32>
          %lt3A_527 = arith.constant 0 : i32
          %lt3A_528 = vector.broadcast %lt3A_527 : i32 to vector<16xi32>
          %lt3A_529 = arith.cmpi slt, %xor3A_526, %lt3A_528 : vector<16xi32>
          %add3A_530 = arith.constant 16 : i32
          %add3A_531 = vector.broadcast %add3A_530 : i32 to vector<16xi32>
          %add3A_532 = arith.addi %xor3A_526, %add3A_531 : vector<16xi32>
          %select_n3A_533 = arith.select %lt3A_529, %add3A_532, %xor3A_526 : vector<16xi1>, vector<16xi32>
          %broadcast_in_dim3A_534 = vector.shape_cast %select_n3A_533 : vector<16xi32> to vector<16x1xi32>
          %gather3A_535 = vector.shape_cast %broadcast_in_dim3A_534 : vector<16x1xi32> to vector<16xi32>
          %gather3A_536 = tpu.dynamic_gather %min3A_523[%gather3A_535] in [0] : vector<16xf32>, vector<16xi32> -> vector<16xf32>
          %min3A_537 = arith.minimumf %min3A_523, %gather3A_536 : vector<16xf32>
          %shift_right_arithmetic3A_538 = arith.constant 4 : i32
          %shift_right_arithmetic3A_539 = arith.shrsi %add3A_481, %shift_right_arithmetic3A_538 : i32
          %mul3A_540 = arith.constant 16 : i32
          %mul3A_541 = arith.muli %shift_right_arithmetic3A_539, %mul3A_540 : i32
          %and3A_542 = arith.constant 15 : i32
          %and3A_543 = arith.andi %add3A_481, %and3A_542 : i32
          %get3A_544 = arith.index_cast %mul3A_541 : i32 to index
          %get3A_545 = tpu.vector_load %arg10[%get3A_544] {strides = array<i32>} : memref<160xf32, #tpu.memory_space<vmem>>, vector<16xf32>,
          %get3A_546 = vector.shape_cast %get3A_545 : vector<16xf32> to vector<16xf32>
          %eq3A_547 = vector.broadcast %and3A_543 : i32 to vector<16xi32>
          %eq3A_548 = arith.cmpi eq, %iota3A, %eq3A_547 : vector<16xi32>
          %select_n3A_549 = arith.select %eq3A_548, %min3A_537, %get3A_546 : vector<16xi1>, vector<16xf32>
          %swap3A_550 = arith.index_cast %mul3A_541 : i32 to index
          %swap3A_551 = tpu.vector_load %arg10[%swap3A_550] {strides = array<i32>} : memref<160xf32, #tpu.memory_space<vmem>>, vector<16xf32>,
          %swap3A_552 = vector.shape_cast %swap3A_551 : vector<16xf32> to vector<16xf32>
          %swap3A_553 = vector.shape_cast %select_n3A_549 : vector<16xf32> to vector<16xf32>
          tpu.vector_store %arg10[%swap3A_550], %swap3A_553 {strides = array<i32>} : memref<160xf32, #tpu.memory_space<vmem>>, vector<16xf32>,
          %add3A_554 = arith.constant 48 : i32
          %add3A_555 = arith.addi %mul3A_273, %add3A_554 : i32
          %swap3A_556 = arith.index_cast %add3A_555 : i32 to index
          %swap3A_557 = tpu.vector_load %arg8[%swap3A_556] {strides = array<i32>} : memref<2560xf32, #tpu.memory_space<vmem>>, vector<16xf32>,
          %swap3A_558 = vector.shape_cast %swap3A_557 : vector<16xf32> to vector<16xf32>
          %swap3A_559 = vector.shape_cast %get3A_206 : vector<16xf32> to vector<16xf32>
          tpu.vector_store %arg8[%swap3A_556], %swap3A_559 {strides = array<i32>} : memref<2560xf32, #tpu.memory_space<vmem>>, vector<16xf32>,
          %mul3A_560 = arith.constant 4 : i32
          %mul3A_561 = arith.muli %scan3A_157, %mul3A_560 : i32
          %add3A_562 = arith.constant 3 : i32
          %add3A_563 = arith.addi %mul3A_561, %add3A_562 : i32
          %mul3A_564 = arith.constant 16 : i32
          %mul3A_565 = arith.muli %add3A_563, %mul3A_564 : i32
          %add3A_566 = vector.broadcast %mul3A_565 : i32 to vector<16xi32>
          %add3A_567 = arith.addi %add3A_566, %iota3A : vector<16xi32>
          %add3A_568 = arith.constant 48 : i32
          %add3A_569 = arith.addi %mul3A_273, %add3A_568 : i32
          %swap3A_570 = arith.index_cast %add3A_569 : i32 to index
          %swap3A_571 = tpu.vector_load %arg9[%swap3A_570] {strides = array<i32>} : memref<2560xi32, #tpu.memory_space<vmem>>, vector<16xi32>,
          %swap3A_572 = vector.shape_cast %swap3A_571 : vector<16xi32> to vector<16xi32>
          %swap3A_573 = vector.shape_cast %add3A_567 : vector<16xi32> to vector<16xi32>
          tpu.vector_store %arg9[%swap3A_570], %swap3A_573 {strides = array<i32>} : memref<2560xi32, #tpu.memory_space<vmem>>, vector<16xi32>,
          %add3A_574 = arith.constant 3 : i32
          %add3A_575 = arith.addi %min3A_271, %add3A_574 : i32
          %xor3A_576 = arith.constant 8 : i32
          %xor3A_577 = vector.broadcast %xor3A_576 : i32 to vector<16xi32>
          %xor3A_578 = arith.xori %iota3A, %xor3A_577 : vector<16xi32>
          %lt3A_579 = arith.constant 0 : i32
          %lt3A_580 = vector.broadcast %lt3A_579 : i32 to vector<16xi32>
          %lt3A_581 = arith.cmpi slt, %xor3A_578, %lt3A_580 : vector<16xi32>
          %add3A_582 = arith.constant 16 : i32
          %add3A_583 = vector.broadcast %add3A_582 : i32 to vector<16xi32>
          %add3A_584 = arith.addi %xor3A_578, %add3A_583 : vector<16xi32>
          %select_n3A_585 = arith.select %lt3A_581, %add3A_584, %xor3A_578 : vector<16xi1>, vector<16xi32>
          %broadcast_in_dim3A_586 = vector.shape_cast %select_n3A_585 : vector<16xi32> to vector<16x1xi32>
          %gather3A_587 = vector.shape_cast %broadcast_in_dim3A_586 : vector<16x1xi32> to vector<16xi32>
          %gather3A_588 = tpu.dynamic_gather %get3A_206[%gather3A_587] in [0] : vector<16xf32>, vector<16xi32> -> vector<16xf32>
          %min3A_589 = arith.minimumf %get3A_206, %gather3A_588 : vector<16xf32>
          %xor3A_590 = arith.constant 4 : i32
          %xor3A_591 = vector.broadcast %xor3A_590 : i32 to vector<16xi32>
          %xor3A_592 = arith.xori %iota3A, %xor3A_591 : vector<16xi32>
          %lt3A_593 = arith.constant 0 : i32
          %lt3A_594 = vector.broadcast %lt3A_593 : i32 to vector<16xi32>
          %lt3A_595 = arith.cmpi slt, %xor3A_592, %lt3A_594 : vector<16xi32>
          %add3A_596 = arith.constant 16 : i32
          %add3A_597 = vector.broadcast %add3A_596 : i32 to vector<16xi32>
          %add3A_598 = arith.addi %xor3A_592, %add3A_597 : vector<16xi32>
          %select_n3A_599 = arith.select %lt3A_595, %add3A_598, %xor3A_592 : vector<16xi1>, vector<16xi32>
          %broadcast_in_dim3A_600 = vector.shape_cast %select_n3A_599 : vector<16xi32> to vector<16x1xi32>
          %gather3A_601 = vector.shape_cast %broadcast_in_dim3A_600 : vector<16x1xi32> to vector<16xi32>
          %gather3A_602 = tpu.dynamic_gather %min3A_589[%gather3A_601] in [0] : vector<16xf32>, vector<16xi32> -> vector<16xf32>
          %min3A_603 = arith.minimumf %min3A_589, %gather3A_602 : vector<16xf32>
          %xor3A_604 = arith.constant 2 : i32
          %xor3A_605 = vector.broadcast %xor3A_604 : i32 to vector<16xi32>
          %xor3A_606 = arith.xori %iota3A, %xor3A_605 : vector<16xi32>
          %lt3A_607 = arith.constant 0 : i32
          %lt3A_608 = vector.broadcast %lt3A_607 : i32 to vector<16xi32>
          %lt3A_609 = arith.cmpi slt, %xor3A_606, %lt3A_608 : vector<16xi32>
          %add3A_610 = arith.constant 16 : i32
          %add3A_611 = vector.broadcast %add3A_610 : i32 to vector<16xi32>
          %add3A_612 = arith.addi %xor3A_606, %add3A_611 : vector<16xi32>
          %select_n3A_613 = arith.select %lt3A_609, %add3A_612, %xor3A_606 : vector<16xi1>, vector<16xi32>
          %broadcast_in_dim3A_614 = vector.shape_cast %select_n3A_613 : vector<16xi32> to vector<16x1xi32>
          %gather3A_615 = vector.shape_cast %broadcast_in_dim3A_614 : vector<16x1xi32> to vector<16xi32>
          %gather3A_616 = tpu.dynamic_gather %min3A_603[%gather3A_615] in [0] : vector<16xf32>, vector<16xi32> -> vector<16xf32>
          %min3A_617 = arith.minimumf %min3A_603, %gather3A_616 : vector<16xf32>
          %xor3A_618 = arith.constant 1 : i32
          %xor3A_619 = vector.broadcast %xor3A_618 : i32 to vector<16xi32>
          %xor3A_620 = arith.xori %iota3A, %xor3A_619 : vector<16xi32>
          %lt3A_621 = arith.constant 0 : i32
          %lt3A_622 = vector.broadcast %lt3A_621 : i32 to vector<16xi32>
          %lt3A_623 = arith.cmpi slt, %xor3A_620, %lt3A_622 : vector<16xi32>
          %add3A_624 = arith.constant 16 : i32
          %add3A_625 = vector.broadcast %add3A_624 : i32 to vector<16xi32>
          %add3A_626 = arith.addi %xor3A_620, %add3A_625 : vector<16xi32>
          %select_n3A_627 = arith.select %lt3A_623, %add3A_626, %xor3A_620 : vector<16xi1>, vector<16xi32>
          %broadcast_in_dim3A_628 = vector.shape_cast %select_n3A_627 : vector<16xi32> to vector<16x1xi32>
          %gather3A_629 = vector.shape_cast %broadcast_in_dim3A_628 : vector<16x1xi32> to vector<16xi32>
          %gather3A_630 = tpu.dynamic_gather %min3A_617[%gather3A_629] in [0] : vector<16xf32>, vector<16xi32> -> vector<16xf32>
          %min3A_631 = arith.minimumf %min3A_617, %gather3A_630 : vector<16xf32>
          %shift_right_arithmetic3A_632 = arith.constant 4 : i32
          %shift_right_arithmetic3A_633 = arith.shrsi %add3A_575, %shift_right_arithmetic3A_632 : i32
          %mul3A_634 = arith.constant 16 : i32
          %mul3A_635 = arith.muli %shift_right_arithmetic3A_633, %mul3A_634 : i32
          %and3A_636 = arith.constant 15 : i32
          %and3A_637 = arith.andi %add3A_575, %and3A_636 : i32
          %get3A_638 = arith.index_cast %mul3A_635 : i32 to index
          %get3A_639 = tpu.vector_load %arg10[%get3A_638] {strides = array<i32>} : memref<160xf32, #tpu.memory_space<vmem>>, vector<16xf32>,
          %get3A_640 = vector.shape_cast %get3A_639 : vector<16xf32> to vector<16xf32>
          %eq3A_641 = vector.broadcast %and3A_637 : i32 to vector<16xi32>
          %eq3A_642 = arith.cmpi eq, %iota3A, %eq3A_641 : vector<16xi32>
          %select_n3A_643 = arith.select %eq3A_642, %min3A_631, %get3A_640 : vector<16xi1>, vector<16xf32>
          %swap3A_644 = arith.index_cast %mul3A_635 : i32 to index
          %swap3A_645 = tpu.vector_load %arg10[%swap3A_644] {strides = array<i32>} : memref<160xf32, #tpu.memory_space<vmem>>, vector<16xf32>,
          %swap3A_646 = vector.shape_cast %swap3A_645 : vector<16xf32> to vector<16xf32>
          %swap3A_647 = vector.shape_cast %select_n3A_643 : vector<16xf32> to vector<16xf32>
          tpu.vector_store %arg10[%swap3A_644], %swap3A_647 {strides = array<i32>} : memref<160xf32, #tpu.memory_space<vmem>>, vector<16xf32>,
          %add3A_648 = arith.constant 4 : i32
          %add3A_649 = arith.addi %scan3A_158, %add3A_648 : i32
          scf.yield %add3A_649 : i32
        } else {
          scf.yield %scan3A_158 : i32
        }
        scf.yield %cond3A_269 : i32
      }
      %scan3A_118 = arith.constant 98 : i32
      %scan3A_119 = arith.constant 0 : i32
      %scan3A_120 = arith.constant 0 : i32
      %scan3A_121 = arith.constant 36 : i32
      %scan3A_122 = arith.addi %scan3A_120, %scan3A_121 : i32
      %scan3A_123 = arith.constant 1 : i32
      %scan3A_124 = scf.for %scan3A_157 = %scan3A_120 to %scan3A_122 step %scan3A_123 iter_args(%scan3A_158 = %scan3A_119) -> (i32)  : i32 {
        %scan3A_159 = arith.constant 0 : i32
        %scan3A_160 = arith.constant 10 : i32
        %scan3A_161 = arith.addi %scan3A_159, %scan3A_160 : i32
        %scan3A_162 = arith.constant 1 : i32
        %scan3A_163 = scf.for %scan3A_475 = %scan3A_159 to %scan3A_161 step %scan3A_162 iter_args(%scan3A_476 = %broadcast_in_dim3A_1) -> (vector<16xf32>)  : i32 {
          %mul3A_477 = arith.constant 16 : i32
          %mul3A_478 = arith.muli %scan3A_475, %mul3A_477 : i32
          %get3A_479 = arith.index_cast %mul3A_478 : i32 to index
          %get3A_480 = tpu.vector_load %arg10[%get3A_479] {strides = array<i32>} : memref<160xf32, #tpu.memory_space<vmem>>, vector<16xf32>,
          %get3A_481 = vector.shape_cast %get3A_480 : vector<16xf32> to vector<16xf32>
          %min3A_482 = arith.minimumf %scan3A_476, %get3A_481 : vector<16xf32>
          scf.yield %min3A_482 : vector<16xf32>
        }
        %scan3A_164 = arith.constant 10 : i32
        %xor3A = arith.constant 8 : i32
        %xor3A_165 = vector.broadcast %xor3A : i32 to vector<16xi32>
        %xor3A_166 = arith.xori %iota3A, %xor3A_165 : vector<16xi32>
        %lt3A_167 = arith.constant 0 : i32
        %lt3A_168 = vector.broadcast %lt3A_167 : i32 to vector<16xi32>
        %lt3A_169 = arith.cmpi slt, %xor3A_166, %lt3A_168 : vector<16xi32>
        %add3A_170 = arith.constant 16 : i32
        %add3A_171 = vector.broadcast %add3A_170 : i32 to vector<16xi32>
        %add3A_172 = arith.addi %xor3A_166, %add3A_171 : vector<16xi32>
        %select_n3A_173 = arith.select %lt3A_169, %add3A_172, %xor3A_166 : vector<16xi1>, vector<16xi32>
        %broadcast_in_dim3A_174 = vector.shape_cast %select_n3A_173 : vector<16xi32> to vector<16x1xi32>
        %gather3A_175 = vector.shape_cast %broadcast_in_dim3A_174 : vector<16x1xi32> to vector<16xi32>
        %gather3A_176 = tpu.dynamic_gather %scan3A_163[%gather3A_175] in [0] : vector<16xf32>, vector<16xi32> -> vector<16xf32>
        %min3A = arith.minimumf %scan3A_163, %gather3A_176 : vector<16xf32>
        %xor3A_177 = arith.constant 4 : i32
        %xor3A_178 = vector.broadcast %xor3A_177 : i32 to vector<16xi32>
        %xor3A_179 = arith.xori %iota3A, %xor3A_178 : vector<16xi32>
        %lt3A_180 = arith.constant 0 : i32
        %lt3A_181 = vector.broadcast %lt3A_180 : i32 to vector<16xi32>
        %lt3A_182 = arith.cmpi slt, %xor3A_179, %lt3A_181 : vector<16xi32>
        %add3A_183 = arith.constant 16 : i32
        %add3A_184 = vector.broadcast %add3A_183 : i32 to vector<16xi32>
        %add3A_185 = arith.addi %xor3A_179, %add3A_184 : vector<16xi32>
        %select_n3A_186 = arith.select %lt3A_182, %add3A_185, %xor3A_179 : vector<16xi1>, vector<16xi32>
        %broadcast_in_dim3A_187 = vector.shape_cast %select_n3A_186 : vector<16xi32> to vector<16x1xi32>
        %gather3A_188 = vector.shape_cast %broadcast_in_dim3A_187 : vector<16x1xi32> to vector<16xi32>
        %gather3A_189 = tpu.dynamic_gather %min3A[%gather3A_188] in [0] : vector<16xf32>, vector<16xi32> -> vector<16xf32>
        %min3A_190 = arith.minimumf %min3A, %gather3A_189 : vector<16xf32>
        %xor3A_191 = arith.constant 2 : i32
        %xor3A_192 = vector.broadcast %xor3A_191 : i32 to vector<16xi32>
        %xor3A_193 = arith.xori %iota3A, %xor3A_192 : vector<16xi32>
        %lt3A_194 = arith.constant 0 : i32
        %lt3A_195 = vector.broadcast %lt3A_194 : i32 to vector<16xi32>
        %lt3A_196 = arith.cmpi slt, %xor3A_193, %lt3A_195 : vector<16xi32>
        %add3A_197 = arith.constant 16 : i32
        %add3A_198 = vector.broadcast %add3A_197 : i32 to vector<16xi32>
        %add3A_199 = arith.addi %xor3A_193, %add3A_198 : vector<16xi32>
        %select_n3A_200 = arith.select %lt3A_196, %add3A_199, %xor3A_193 : vector<16xi1>, vector<16xi32>
        %broadcast_in_dim3A_201 = vector.shape_cast %select_n3A_200 : vector<16xi32> to vector<16x1xi32>
        %gather3A_202 = vector.shape_cast %broadcast_in_dim3A_201 : vector<16x1xi32> to vector<16xi32>
        %gather3A_203 = tpu.dynamic_gather %min3A_190[%gather3A_202] in [0] : vector<16xf32>, vector<16xi32> -> vector<16xf32>
        %min3A_204 = arith.minimumf %min3A_190, %gather3A_203 : vector<16xf32>
        %xor3A_205 = arith.constant 1 : i32
        %xor3A_206 = vector.broadcast %xor3A_205 : i32 to vector<16xi32>
        %xor3A_207 = arith.xori %iota3A, %xor3A_206 : vector<16xi32>
        %lt3A_208 = arith.constant 0 : i32
        %lt3A_209 = vector.broadcast %lt3A_208 : i32 to vector<16xi32>
        %lt3A_210 = arith.cmpi slt, %xor3A_207, %lt3A_209 : vector<16xi32>
        %add3A_211 = arith.constant 16 : i32
        %add3A_212 = vector.broadcast %add3A_211 : i32 to vector<16xi32>
        %add3A_213 = arith.addi %xor3A_207, %add3A_212 : vector<16xi32>
        %select_n3A_214 = arith.select %lt3A_210, %add3A_213, %xor3A_207 : vector<16xi1>, vector<16xi32>
        %broadcast_in_dim3A_215 = vector.shape_cast %select_n3A_214 : vector<16xi32> to vector<16x1xi32>
        %gather3A_216 = vector.shape_cast %broadcast_in_dim3A_215 : vector<16x1xi32> to vector<16xi32>
        %gather3A_217 = tpu.dynamic_gather %min3A_204[%gather3A_216] in [0] : vector<16xf32>, vector<16xi32> -> vector<16xf32>
        %min3A_218 = arith.minimumf %min3A_204, %gather3A_217 : vector<16xf32>
        %broadcast_in_dim3A_219 = arith.constant 9999 : i32
        %broadcast_in_dim3A_220 = vector.broadcast %broadcast_in_dim3A_219 : i32 to vector<16xi32>
        %scan3A_221 = arith.constant 0 : i32
        %scan3A_222 = arith.constant 10 : i32
        %scan3A_223 = arith.addi %scan3A_221, %scan3A_222 : i32
        %scan3A_224 = arith.constant 1 : i32
        %scan3A_225 = scf.for %scan3A_475 = %scan3A_221 to %scan3A_223 step %scan3A_224 iter_args(%scan3A_476 = %broadcast_in_dim3A_220) -> (vector<16xi32>)  : i32 {
          %mul3A_477 = arith.constant 16 : i32
          %mul3A_478 = arith.muli %scan3A_475, %mul3A_477 : i32
          %get3A_479 = arith.index_cast %mul3A_478 : i32 to index
          %get3A_480 = tpu.vector_load %arg10[%get3A_479] {strides = array<i32>} : memref<160xf32, #tpu.memory_space<vmem>>, vector<16xf32>,
          %get3A_481 = vector.shape_cast %get3A_480 : vector<16xf32> to vector<16xf32>
          %mul3A_482 = arith.constant 16 : i32
          %mul3A_483 = arith.muli %scan3A_475, %mul3A_482 : i32
          %add3A_484 = vector.broadcast %mul3A_483 : i32 to vector<16xi32>
          %add3A_485 = arith.addi %add3A_484, %iota3A : vector<16xi32>
          %eq3A_486 = arith.cmpf oeq, %get3A_481, %min3A_218 : vector<16xf32>
          %jit3A_487 = arith.constant 9999 : i32
          %broadcast_in_dim3A_488 = vector.broadcast %jit3A_487 : i32 to vector<16xi32>
          %select_n3A_489 = arith.select %eq3A_486, %add3A_485, %broadcast_in_dim3A_488 : vector<16xi1>, vector<16xi32>
          %min3A_490 = arith.minsi %scan3A_476, %select_n3A_489 : vector<16xi32>
          scf.yield %min3A_490 : vector<16xi32>
        }
        %scan3A_226 = arith.constant 10 : i32
        %xor3A_227 = arith.constant 8 : i32
        %xor3A_228 = vector.broadcast %xor3A_227 : i32 to vector<16xi32>
        %xor3A_229 = arith.xori %iota3A, %xor3A_228 : vector<16xi32>
        %lt3A_230 = arith.constant 0 : i32
        %lt3A_231 = vector.broadcast %lt3A_230 : i32 to vector<16xi32>
        %lt3A_232 = arith.cmpi slt, %xor3A_229, %lt3A_231 : vector<16xi32>
        %add3A_233 = arith.constant 16 : i32
        %add3A_234 = vector.broadcast %add3A_233 : i32 to vector<16xi32>
        %add3A_235 = arith.addi %xor3A_229, %add3A_234 : vector<16xi32>
        %select_n3A_236 = arith.select %lt3A_232, %add3A_235, %xor3A_229 : vector<16xi1>, vector<16xi32>
        %broadcast_in_dim3A_237 = vector.shape_cast %select_n3A_236 : vector<16xi32> to vector<16x1xi32>
        %gather3A_238 = vector.shape_cast %broadcast_in_dim3A_237 : vector<16x1xi32> to vector<16xi32>
        %gather3A_239 = tpu.dynamic_gather %scan3A_225[%gather3A_238] in [0] : vector<16xi32>, vector<16xi32> -> vector<16xi32>
        %min3A_240 = arith.minsi %scan3A_225, %gather3A_239 : vector<16xi32>
        %xor3A_241 = arith.constant 4 : i32
        %xor3A_242 = vector.broadcast %xor3A_241 : i32 to vector<16xi32>
        %xor3A_243 = arith.xori %iota3A, %xor3A_242 : vector<16xi32>
        %lt3A_244 = arith.constant 0 : i32
        %lt3A_245 = vector.broadcast %lt3A_244 : i32 to vector<16xi32>
        %lt3A_246 = arith.cmpi slt, %xor3A_243, %lt3A_245 : vector<16xi32>
        %add3A_247 = arith.constant 16 : i32
        %add3A_248 = vector.broadcast %add3A_247 : i32 to vector<16xi32>
        %add3A_249 = arith.addi %xor3A_243, %add3A_248 : vector<16xi32>
        %select_n3A_250 = arith.select %lt3A_246, %add3A_249, %xor3A_243 : vector<16xi1>, vector<16xi32>
        %broadcast_in_dim3A_251 = vector.shape_cast %select_n3A_250 : vector<16xi32> to vector<16x1xi32>
        %gather3A_252 = vector.shape_cast %broadcast_in_dim3A_251 : vector<16x1xi32> to vector<16xi32>
        %gather3A_253 = tpu.dynamic_gather %min3A_240[%gather3A_252] in [0] : vector<16xi32>, vector<16xi32> -> vector<16xi32>
        %min3A_254 = arith.minsi %min3A_240, %gather3A_253 : vector<16xi32>
        %xor3A_255 = arith.constant 2 : i32
        %xor3A_256 = vector.broadcast %xor3A_255 : i32 to vector<16xi32>
        %xor3A_257 = arith.xori %iota3A, %xor3A_256 : vector<16xi32>
        %lt3A_258 = arith.constant 0 : i32
        %lt3A_259 = vector.broadcast %lt3A_258 : i32 to vector<16xi32>
        %lt3A_260 = arith.cmpi slt, %xor3A_257, %lt3A_259 : vector<16xi32>
        %add3A_261 = arith.constant 16 : i32
        %add3A_262 = vector.broadcast %add3A_261 : i32 to vector<16xi32>
        %add3A_263 = arith.addi %xor3A_257, %add3A_262 : vector<16xi32>
        %select_n3A_264 = arith.select %lt3A_260, %add3A_263, %xor3A_257 : vector<16xi1>, vector<16xi32>
        %broadcast_in_dim3A_265 = vector.shape_cast %select_n3A_264 : vector<16xi32> to vector<16x1xi32>
        %gather3A_266 = vector.shape_cast %broadcast_in_dim3A_265 : vector<16x1xi32> to vector<16xi32>
        %gather3A_267 = tpu.dynamic_gather %min3A_254[%gather3A_266] in [0] : vector<16xi32>, vector<16xi32> -> vector<16xi32>
        %min3A_268 = arith.minsi %min3A_254, %gather3A_267 : vector<16xi32>
        %xor3A_269 = arith.constant 1 : i32
        %xor3A_270 = vector.broadcast %xor3A_269 : i32 to vector<16xi32>
        %xor3A_271 = arith.xori %iota3A, %xor3A_270 : vector<16xi32>
        %lt3A_272 = arith.constant 0 : i32
        %lt3A_273 = vector.broadcast %lt3A_272 : i32 to vector<16xi32>
        %lt3A_274 = arith.cmpi slt, %xor3A_271, %lt3A_273 : vector<16xi32>
        %add3A_275 = arith.constant 16 : i32
        %add3A_276 = vector.broadcast %add3A_275 : i32 to vector<16xi32>
        %add3A_277 = arith.addi %xor3A_271, %add3A_276 : vector<16xi32>
        %select_n3A_278 = arith.select %lt3A_274, %add3A_277, %xor3A_271 : vector<16xi1>, vector<16xi32>
        %broadcast_in_dim3A_279 = vector.shape_cast %select_n3A_278 : vector<16xi32> to vector<16x1xi32>
        %gather3A_280 = vector.shape_cast %broadcast_in_dim3A_279 : vector<16x1xi32> to vector<16xi32>
        %gather3A_281 = tpu.dynamic_gather %min3A_268[%gather3A_280] in [0] : vector<16xi32>, vector<16xi32> -> vector<16xi32>
        %min3A_282 = arith.minsi %min3A_268, %gather3A_281 : vector<16xi32>
        %slice3A_283 = vector.extract_strided_slice %min3A_282 {offsets = [0], sizes = [1], strides = [1]} : vector<16xi32> to vector<1xi32>
        %squeeze3A_284 = vector.extract %slice3A_283[0] : i32 from vector<1xi32>
        %min3A_285 = arith.constant 159 : i32
        %min3A_286 = arith.minsi %squeeze3A_284, %min3A_285 : i32
        %mul3A_287 = arith.constant 16 : i32
        %mul3A_288 = arith.muli %min3A_286, %mul3A_287 : i32
        %get3A_289 = arith.index_cast %mul3A_288 : i32 to index
        %get3A_290 = tpu.vector_load %arg8[%get3A_289] {strides = array<i32>} : memref<2560xf32, #tpu.memory_space<vmem>>, vector<16xf32>,
        %get3A_291 = vector.shape_cast %get3A_290 : vector<16xf32> to vector<16xf32>
        %eq3A = arith.cmpf oeq, %get3A_291, %min3A_218 : vector<16xf32>
        %jit3A = arith.constant 16 : i32
        %broadcast_in_dim3A_292 = vector.broadcast %jit3A : i32 to vector<16xi32>
        %select_n3A_293 = arith.select %eq3A, %iota3A, %broadcast_in_dim3A_292 : vector<16xi1>, vector<16xi32>
        %xor3A_294 = arith.constant 8 : i32
        %xor3A_295 = vector.broadcast %xor3A_294 : i32 to vector<16xi32>
        %xor3A_296 = arith.xori %iota3A, %xor3A_295 : vector<16xi32>
        %lt3A_297 = arith.constant 0 : i32
        %lt3A_298 = vector.broadcast %lt3A_297 : i32 to vector<16xi32>
        %lt3A_299 = arith.cmpi slt, %xor3A_296, %lt3A_298 : vector<16xi32>
        %add3A_300 = arith.constant 16 : i32
        %add3A_301 = vector.broadcast %add3A_300 : i32 to vector<16xi32>
        %add3A_302 = arith.addi %xor3A_296, %add3A_301 : vector<16xi32>
        %select_n3A_303 = arith.select %lt3A_299, %add3A_302, %xor3A_296 : vector<16xi1>, vector<16xi32>
        %broadcast_in_dim3A_304 = vector.shape_cast %select_n3A_303 : vector<16xi32> to vector<16x1xi32>
        %gather3A_305 = vector.shape_cast %broadcast_in_dim3A_304 : vector<16x1xi32> to vector<16xi32>
        %gather3A_306 = tpu.dynamic_gather %select_n3A_293[%gather3A_305] in [0] : vector<16xi32>, vector<16xi32> -> vector<16xi32>
        %min3A_307 = arith.minsi %select_n3A_293, %gather3A_306 : vector<16xi32>
        %xor3A_308 = arith.constant 4 : i32
        %xor3A_309 = vector.broadcast %xor3A_308 : i32 to vector<16xi32>
        %xor3A_310 = arith.xori %iota3A, %xor3A_309 : vector<16xi32>
        %lt3A_311 = arith.constant 0 : i32
        %lt3A_312 = vector.broadcast %lt3A_311 : i32 to vector<16xi32>
        %lt3A_313 = arith.cmpi slt, %xor3A_310, %lt3A_312 : vector<16xi32>
        %add3A_314 = arith.constant 16 : i32
        %add3A_315 = vector.broadcast %add3A_314 : i32 to vector<16xi32>
        %add3A_316 = arith.addi %xor3A_310, %add3A_315 : vector<16xi32>
        %select_n3A_317 = arith.select %lt3A_313, %add3A_316, %xor3A_310 : vector<16xi1>, vector<16xi32>
        %broadcast_in_dim3A_318 = vector.shape_cast %select_n3A_317 : vector<16xi32> to vector<16x1xi32>
        %gather3A_319 = vector.shape_cast %broadcast_in_dim3A_318 : vector<16x1xi32> to vector<16xi32>
        %gather3A_320 = tpu.dynamic_gather %min3A_307[%gather3A_319] in [0] : vector<16xi32>, vector<16xi32> -> vector<16xi32>
        %min3A_321 = arith.minsi %min3A_307, %gather3A_320 : vector<16xi32>
        %xor3A_322 = arith.constant 2 : i32
        %xor3A_323 = vector.broadcast %xor3A_322 : i32 to vector<16xi32>
        %xor3A_324 = arith.xori %iota3A, %xor3A_323 : vector<16xi32>
        %lt3A_325 = arith.constant 0 : i32
        %lt3A_326 = vector.broadcast %lt3A_325 : i32 to vector<16xi32>
        %lt3A_327 = arith.cmpi slt, %xor3A_324, %lt3A_326 : vector<16xi32>
        %add3A_328 = arith.constant 16 : i32
        %add3A_329 = vector.broadcast %add3A_328 : i32 to vector<16xi32>
        %add3A_330 = arith.addi %xor3A_324, %add3A_329 : vector<16xi32>
        %select_n3A_331 = arith.select %lt3A_327, %add3A_330, %xor3A_324 : vector<16xi1>, vector<16xi32>
        %broadcast_in_dim3A_332 = vector.shape_cast %select_n3A_331 : vector<16xi32> to vector<16x1xi32>
        %gather3A_333 = vector.shape_cast %broadcast_in_dim3A_332 : vector<16x1xi32> to vector<16xi32>
        %gather3A_334 = tpu.dynamic_gather %min3A_321[%gather3A_333] in [0] : vector<16xi32>, vector<16xi32> -> vector<16xi32>
        %min3A_335 = arith.minsi %min3A_321, %gather3A_334 : vector<16xi32>
        %xor3A_336 = arith.constant 1 : i32
        %xor3A_337 = vector.broadcast %xor3A_336 : i32 to vector<16xi32>
        %xor3A_338 = arith.xori %iota3A, %xor3A_337 : vector<16xi32>
        %lt3A_339 = arith.constant 0 : i32
        %lt3A_340 = vector.broadcast %lt3A_339 : i32 to vector<16xi32>
        %lt3A_341 = arith.cmpi slt, %xor3A_338, %lt3A_340 : vector<16xi32>
        %add3A_342 = arith.constant 16 : i32
        %add3A_343 = vector.broadcast %add3A_342 : i32 to vector<16xi32>
        %add3A_344 = arith.addi %xor3A_338, %add3A_343 : vector<16xi32>
        %select_n3A_345 = arith.select %lt3A_341, %add3A_344, %xor3A_338 : vector<16xi1>, vector<16xi32>
        %broadcast_in_dim3A_346 = vector.shape_cast %select_n3A_345 : vector<16xi32> to vector<16x1xi32>
        %gather3A_347 = vector.shape_cast %broadcast_in_dim3A_346 : vector<16x1xi32> to vector<16xi32>
        %gather3A_348 = tpu.dynamic_gather %min3A_335[%gather3A_347] in [0] : vector<16xi32>, vector<16xi32> -> vector<16xi32>
        %min3A_349 = arith.minsi %min3A_335, %gather3A_348 : vector<16xi32>
        %get3A_350 = arith.index_cast %mul3A_288 : i32 to index
        %get3A_351 = tpu.vector_load %arg9[%get3A_350] {strides = array<i32>} : memref<2560xi32, #tpu.memory_space<vmem>>, vector<16xi32>,
        %get3A_352 = vector.shape_cast %get3A_351 : vector<16xi32> to vector<16xi32>
        %lt3A_353 = arith.constant 0 : i32
        %lt3A_354 = vector.broadcast %lt3A_353 : i32 to vector<16xi32>
        %lt3A_355 = arith.cmpi slt, %min3A_349, %lt3A_354 : vector<16xi32>
        %add3A_356 = arith.constant 16 : i32
        %add3A_357 = vector.broadcast %add3A_356 : i32 to vector<16xi32>
        %add3A_358 = arith.addi %min3A_349, %add3A_357 : vector<16xi32>
        %select_n3A_359 = arith.select %lt3A_355, %add3A_358, %min3A_349 : vector<16xi1>, vector<16xi32>
        %broadcast_in_dim3A_360 = vector.shape_cast %select_n3A_359 : vector<16xi32> to vector<16x1xi32>
        %gather3A_361 = vector.shape_cast %broadcast_in_dim3A_360 : vector<16x1xi32> to vector<16xi32>
        %gather3A_362 = tpu.dynamic_gather %get3A_352[%gather3A_361] in [0] : vector<16xi32>, vector<16xi32> -> vector<16xi32>
        %slice3A_363 = vector.extract_strided_slice %gather3A_362 {offsets = [0], sizes = [1], strides = [1]} : vector<16xi32> to vector<1xi32>
        %squeeze3A_364 = vector.extract %slice3A_363[0] : i32 from vector<1xi32>
        %jit3A_365 = arith.constant 0 : i32
        %jit3A_366 = arith.constant 6271 : i32
        %max3A = arith.maxsi %jit3A_365, %squeeze3A_364 : i32
        %min3A_367 = arith.minsi %jit3A_366, %max3A : i32
        %eq3A_368 = arith.cmpi eq, %iota3A, %min3A_349 : vector<16xi32>
        %select_n3A_369 = arith.select %eq3A_368, %broadcast_in_dim3A_1, %get3A_291 : vector<16xi1>, vector<16xf32>
        %swap3A = arith.index_cast %mul3A_288 : i32 to index
        %swap3A_370 = tpu.vector_load %arg8[%swap3A] {strides = array<i32>} : memref<2560xf32, #tpu.memory_space<vmem>>, vector<16xf32>,
        %swap3A_371 = vector.shape_cast %swap3A_370 : vector<16xf32> to vector<16xf32>
        %swap3A_372 = vector.shape_cast %select_n3A_369 : vector<16xf32> to vector<16xf32>
        tpu.vector_store %arg8[%swap3A], %swap3A_372 {strides = array<i32>} : memref<2560xf32, #tpu.memory_space<vmem>>, vector<16xf32>,
        %xor3A_373 = arith.constant 8 : i32
        %xor3A_374 = vector.broadcast %xor3A_373 : i32 to vector<16xi32>
        %xor3A_375 = arith.xori %iota3A, %xor3A_374 : vector<16xi32>
        %lt3A_376 = arith.constant 0 : i32
        %lt3A_377 = vector.broadcast %lt3A_376 : i32 to vector<16xi32>
        %lt3A_378 = arith.cmpi slt, %xor3A_375, %lt3A_377 : vector<16xi32>
        %add3A_379 = arith.constant 16 : i32
        %add3A_380 = vector.broadcast %add3A_379 : i32 to vector<16xi32>
        %add3A_381 = arith.addi %xor3A_375, %add3A_380 : vector<16xi32>
        %select_n3A_382 = arith.select %lt3A_378, %add3A_381, %xor3A_375 : vector<16xi1>, vector<16xi32>
        %broadcast_in_dim3A_383 = vector.shape_cast %select_n3A_382 : vector<16xi32> to vector<16x1xi32>
        %gather3A_384 = vector.shape_cast %broadcast_in_dim3A_383 : vector<16x1xi32> to vector<16xi32>
        %gather3A_385 = tpu.dynamic_gather %select_n3A_369[%gather3A_384] in [0] : vector<16xf32>, vector<16xi32> -> vector<16xf32>
        %min3A_386 = arith.minimumf %select_n3A_369, %gather3A_385 : vector<16xf32>
        %xor3A_387 = arith.constant 4 : i32
        %xor3A_388 = vector.broadcast %xor3A_387 : i32 to vector<16xi32>
        %xor3A_389 = arith.xori %iota3A, %xor3A_388 : vector<16xi32>
        %lt3A_390 = arith.constant 0 : i32
        %lt3A_391 = vector.broadcast %lt3A_390 : i32 to vector<16xi32>
        %lt3A_392 = arith.cmpi slt, %xor3A_389, %lt3A_391 : vector<16xi32>
        %add3A_393 = arith.constant 16 : i32
        %add3A_394 = vector.broadcast %add3A_393 : i32 to vector<16xi32>
        %add3A_395 = arith.addi %xor3A_389, %add3A_394 : vector<16xi32>
        %select_n3A_396 = arith.select %lt3A_392, %add3A_395, %xor3A_389 : vector<16xi1>, vector<16xi32>
        %broadcast_in_dim3A_397 = vector.shape_cast %select_n3A_396 : vector<16xi32> to vector<16x1xi32>
        %gather3A_398 = vector.shape_cast %broadcast_in_dim3A_397 : vector<16x1xi32> to vector<16xi32>
        %gather3A_399 = tpu.dynamic_gather %min3A_386[%gather3A_398] in [0] : vector<16xf32>, vector<16xi32> -> vector<16xf32>
        %min3A_400 = arith.minimumf %min3A_386, %gather3A_399 : vector<16xf32>
        %xor3A_401 = arith.constant 2 : i32
        %xor3A_402 = vector.broadcast %xor3A_401 : i32 to vector<16xi32>
        %xor3A_403 = arith.xori %iota3A, %xor3A_402 : vector<16xi32>
        %lt3A_404 = arith.constant 0 : i32
        %lt3A_405 = vector.broadcast %lt3A_404 : i32 to vector<16xi32>
        %lt3A_406 = arith.cmpi slt, %xor3A_403, %lt3A_405 : vector<16xi32>
        %add3A_407 = arith.constant 16 : i32
        %add3A_408 = vector.broadcast %add3A_407 : i32 to vector<16xi32>
        %add3A_409 = arith.addi %xor3A_403, %add3A_408 : vector<16xi32>
        %select_n3A_410 = arith.select %lt3A_406, %add3A_409, %xor3A_403 : vector<16xi1>, vector<16xi32>
        %broadcast_in_dim3A_411 = vector.shape_cast %select_n3A_410 : vector<16xi32> to vector<16x1xi32>
        %gather3A_412 = vector.shape_cast %broadcast_in_dim3A_411 : vector<16x1xi32> to vector<16xi32>
        %gather3A_413 = tpu.dynamic_gather %min3A_400[%gather3A_412] in [0] : vector<16xf32>, vector<16xi32> -> vector<16xf32>
        %min3A_414 = arith.minimumf %min3A_400, %gather3A_413 : vector<16xf32>
        %xor3A_415 = arith.constant 1 : i32
        %xor3A_416 = vector.broadcast %xor3A_415 : i32 to vector<16xi32>
        %xor3A_417 = arith.xori %iota3A, %xor3A_416 : vector<16xi32>
        %lt3A_418 = arith.constant 0 : i32
        %lt3A_419 = vector.broadcast %lt3A_418 : i32 to vector<16xi32>
        %lt3A_420 = arith.cmpi slt, %xor3A_417, %lt3A_419 : vector<16xi32>
        %add3A_421 = arith.constant 16 : i32
        %add3A_422 = vector.broadcast %add3A_421 : i32 to vector<16xi32>
        %add3A_423 = arith.addi %xor3A_417, %add3A_422 : vector<16xi32>
        %select_n3A_424 = arith.select %lt3A_420, %add3A_423, %xor3A_417 : vector<16xi1>, vector<16xi32>
        %broadcast_in_dim3A_425 = vector.shape_cast %select_n3A_424 : vector<16xi32> to vector<16x1xi32>
        %gather3A_426 = vector.shape_cast %broadcast_in_dim3A_425 : vector<16x1xi32> to vector<16xi32>
        %gather3A_427 = tpu.dynamic_gather %min3A_414[%gather3A_426] in [0] : vector<16xf32>, vector<16xi32> -> vector<16xf32>
        %min3A_428 = arith.minimumf %min3A_414, %gather3A_427 : vector<16xf32>
        %shift_right_arithmetic3A_429 = arith.constant 4 : i32
        %shift_right_arithmetic3A_430 = arith.shrsi %min3A_286, %shift_right_arithmetic3A_429 : i32
        %mul3A_431 = arith.constant 16 : i32
        %mul3A_432 = arith.muli %shift_right_arithmetic3A_430, %mul3A_431 : i32
        %and3A_433 = arith.constant 15 : i32
        %and3A_434 = arith.andi %min3A_286, %and3A_433 : i32
        %get3A_435 = arith.index_cast %mul3A_432 : i32 to index
        %get3A_436 = tpu.vector_load %arg10[%get3A_435] {strides = array<i32>} : memref<160xf32, #tpu.memory_space<vmem>>, vector<16xf32>,
        %get3A_437 = vector.shape_cast %get3A_436 : vector<16xf32> to vector<16xf32>
        %eq3A_438 = vector.broadcast %and3A_434 : i32 to vector<16xi32>
        %eq3A_439 = arith.cmpi eq, %iota3A, %eq3A_438 : vector<16xi32>
        %select_n3A_440 = arith.select %eq3A_439, %min3A_428, %get3A_437 : vector<16xi1>, vector<16xf32>
        %swap3A_441 = arith.index_cast %mul3A_432 : i32 to index
        %swap3A_442 = tpu.vector_load %arg10[%swap3A_441] {strides = array<i32>} : memref<160xf32, #tpu.memory_space<vmem>>, vector<16xf32>,
        %swap3A_443 = vector.shape_cast %swap3A_442 : vector<16xf32> to vector<16xf32>
        %swap3A_444 = vector.shape_cast %select_n3A_440 : vector<16xf32> to vector<16xf32>
        tpu.vector_store %arg10[%swap3A_441], %swap3A_444 {strides = array<i32>} : memref<160xf32, #tpu.memory_space<vmem>>, vector<16xf32>,
        %shift_right_arithmetic3A_445 = arith.constant 7 : i32
        %shift_right_arithmetic3A_446 = arith.shrsi %min3A_367, %shift_right_arithmetic3A_445 : i32
        %and3A_447 = arith.constant 127 : i32
        %and3A_448 = arith.andi %min3A_367, %and3A_447 : i32
        %mul3A_449 = arith.constant 100352 : i32
        %mul3A_450 = arith.muli %add3A_64, %mul3A_449 : i32
        %mul3A_451 = arith.constant 2048 : i32
        %mul3A_452 = arith.muli %shift_right_arithmetic3A_446, %mul3A_451 : i32
        %add3A_453 = arith.addi %mul3A_450, %mul3A_452 : i32
        %add3A_454 = arith.addi %add3A_453, %and3A_448 : i32
        %mul3A_455 = arith.constant 128 : i32
        %mul3A_456 = vector.broadcast %mul3A_455 : i32 to vector<16xi32>
        %mul3A_457 = arith.muli %mul3A_456, %iota3A : vector<16xi32>
        %add3A_458 = vector.broadcast %add3A_454 : i32 to vector<16xi32>
        %add3A_459 = arith.addi %add3A_458, %mul3A_457 : vector<16xi32>
        %swap3A_460 = arith.index_cast %scan3A_157 : i32 to index
        %swap3A_461 = arith.constant 0 : index
        %swap3A_462 = tpu.vector_load %arg11[%swap3A_460, %swap3A_461] {strides = array<i32>} : memref<36x16xf32, #tpu.memory_space<vmem>>, vector<1x16xf32>,
        %swap3A_463 = vector.shape_cast %swap3A_462 : vector<1x16xf32> to vector<16xf32>
        %swap3A_464 = vector.shape_cast %min3A_218 : vector<16xf32> to vector<1x16xf32>
        tpu.vector_store %arg11[%swap3A_460, %swap3A_461], %swap3A_464 {strides = array<i32>} : memref<36x16xf32, #tpu.memory_space<vmem>>, vector<1x16xf32>,
        %dma_start3A_465 = arith.constant 0 : i32
        %dma_start3A_466 = arith.constant 0 : i32
        %dma_start3A_467 = tpu.memref_slice %arg12[%and3A_65, %dma_start3A_465, %dma_start3A_466] : memref<2x36x16xf32, #tpu.memory_space<vmem>> -> memref<1x36x16xf32, #tpu.memory_space<vmem>>
        %dma_start3A_468 = tpu.memref_squeeze %dma_start3A_467 : memref<1x36x16xf32, #tpu.memory_space<vmem>> -> memref<36x16xf32, #tpu.memory_space<vmem>>
        %dma_start3A_469 = arith.constant 0 : i32
        %dma_start3A_470 = tpu.memref_slice %dma_start3A_468[%scan3A_157, %dma_start3A_469] : memref<36x16xf32, #tpu.memory_space<vmem>> -> memref<1x16xf32, #tpu.memory_space<vmem>>
        %dma_start3A_471 = tpu.memref_squeeze %dma_start3A_470 : memref<1x16xf32, #tpu.memory_space<vmem>> -> memref<16xf32, #tpu.memory_space<vmem>>
        %dma_start3A_472 = arith.constant 0 : i32
        %dma_start3A_473 = tpu.memref_slice %arg4[%dma_start3A_472] : memref<102760448xf32, #tpu.memory_space<hbm>> -> memref<102760448xf32, #tpu.memory_space<hbm>>
        tpu.enqueue_indirect_dma source(%dma_start3A_473 : memref<102760448xf32, #tpu.memory_space<hbm>>) target(%dma_start3A_471 : memref<16xf32, #tpu.memory_space<vmem>>) offsets(%add3A_459 : vector<16xi32>) semaphore(%arg14 : memref<!tpu.dma_semaphore, #tpu.memory_space<semaphore_mem>>)
        %scan3A_474 = arith.constant 0 : i32
        scf.yield %scan3A_474 : i32
      }
      %scan3A_125 = arith.constant 36 : i32
      %scan3A_126 = arith.constant 0 : i32
      %scan3A_127 = arith.constant 0 : i32
      %scan3A_128 = arith.constant 36 : i32
      %scan3A_129 = arith.addi %scan3A_127, %scan3A_128 : i32
      %scan3A_130 = arith.constant 1 : i32
      %scan3A_131 = scf.for %scan3A_157 = %scan3A_127 to %scan3A_129 step %scan3A_130 iter_args(%scan3A_158 = %scan3A_126) -> (i32)  : i32 {
        %dma_wait3A_159 = arith.constant 0 : i32
        %dma_wait3A_160 = arith.constant 0 : i32
        %dma_wait3A_161 = tpu.memref_slice %arg12[%and3A_65, %dma_wait3A_159, %dma_wait3A_160] : memref<2x36x16xf32, #tpu.memory_space<vmem>> -> memref<1x36x16xf32, #tpu.memory_space<vmem>>
        %dma_wait3A_162 = tpu.memref_squeeze %dma_wait3A_161 : memref<1x36x16xf32, #tpu.memory_space<vmem>> -> memref<36x16xf32, #tpu.memory_space<vmem>>
        %dma_wait3A_163 = arith.constant 0 : i32
        %dma_wait3A_164 = tpu.memref_slice %dma_wait3A_162[%scan3A_157, %dma_wait3A_163] : memref<36x16xf32, #tpu.memory_space<vmem>> -> memref<1x16xf32, #tpu.memory_space<vmem>>
        %dma_wait3A_165 = tpu.memref_squeeze %dma_wait3A_164 : memref<1x16xf32, #tpu.memory_space<vmem>> -> memref<16xf32, #tpu.memory_space<vmem>>
        %dma_wait3A_166 = arith.constant 0 : i32
        %dma_wait3A_167 = tpu.memref_slice %arg4[%dma_wait3A_166] : memref<102760448xf32, #tpu.memory_space<hbm>> -> memref<16xf32, #tpu.memory_space<hbm>>
        %dma_wait3A_168 = arith.constant 0 : i32
        %dma_wait3A_169 = arith.constant 0 : i32
        %dma_wait3A_170 = tpu.memref_slice %arg12[%and3A_65, %dma_wait3A_168, %dma_wait3A_169] : memref<2x36x16xf32, #tpu.memory_space<vmem>> -> memref<1x36x16xf32, #tpu.memory_space<vmem>>
        %dma_wait3A_171 = tpu.memref_squeeze %dma_wait3A_170 : memref<1x36x16xf32, #tpu.memory_space<vmem>> -> memref<36x16xf32, #tpu.memory_space<vmem>>
        %dma_wait3A_172 = arith.constant 0 : i32
        %dma_wait3A_173 = tpu.memref_slice %dma_wait3A_171[%scan3A_157, %dma_wait3A_172] : memref<36x16xf32, #tpu.memory_space<vmem>> -> memref<1x16xf32, #tpu.memory_space<vmem>>
        %dma_wait3A_174 = tpu.memref_squeeze %dma_wait3A_173 : memref<1x16xf32, #tpu.memory_space<vmem>> -> memref<16xf32, #tpu.memory_space<vmem>>
        %dma_wait3A_175 = arith.constant 0 : i32
        %dma_wait3A_176 = tpu.memref_slice %arg4[%dma_wait3A_175] : memref<102760448xf32, #tpu.memory_space<hbm>> -> memref<16xf32, #tpu.memory_space<hbm>>
        tpu.wait_dma2 semaphore(%arg14 : memref<!tpu.dma_semaphore, #tpu.memory_space<semaphore_mem>>) src(%dma_wait3A_176 : memref<16xf32, #tpu.memory_space<hbm>>) dst(%dma_wait3A_174 : memref<16xf32, #tpu.memory_space<vmem>>)
        %scan3A_177 = arith.constant 0 : i32
        scf.yield %scan3A_177 : i32
      }
      %scan3A_132 = arith.constant 36 : i32
      %scan3A_133 = arith.constant 0 : i32
      %scan3A_134 = arith.constant 0 : i32
      %scan3A_135 = arith.constant 36 : i32
      %scan3A_136 = arith.addi %scan3A_134, %scan3A_135 : i32
      %scan3A_137 = arith.constant 1 : i32
      %scan3A_138 = scf.for %scan3A_157 = %scan3A_134 to %scan3A_136 step %scan3A_137 iter_args(%scan3A_158 = %scan3A_133) -> (i32)  : i32 {
        %get3A_159 = arith.constant 0 : i32
        %get3A_160 = arith.constant 0 : i32
        %get3A_161 = tpu.memref_slice %arg12[%and3A_65, %get3A_159, %get3A_160] : memref<2x36x16xf32, #tpu.memory_space<vmem>> -> memref<1x36x16xf32, #tpu.memory_space<vmem>>
        %get3A_162 = tpu.memref_squeeze %get3A_161 : memref<1x36x16xf32, #tpu.memory_space<vmem>> -> memref<36x16xf32, #tpu.memory_space<vmem>>
        %get3A_163 = arith.index_cast %scan3A_157 : i32 to index
        %get3A_164 = arith.constant 0 : index
        %get3A_165 = tpu.vector_load %get3A_162[%get3A_163, %get3A_164] {strides = array<i32>} : memref<36x16xf32, #tpu.memory_space<vmem>>, vector<1x16xf32>,
        %get3A_166 = vector.shape_cast %get3A_165 : vector<1x16xf32> to vector<16xf32>
        %get3A_167 = arith.index_cast %scan3A_157 : i32 to index
        %get3A_168 = arith.constant 0 : index
        %get3A_169 = tpu.vector_load %arg11[%get3A_167, %get3A_168] {strides = array<i32>} : memref<36x16xf32, #tpu.memory_space<vmem>>, vector<1x16xf32>,
        %get3A_170 = vector.shape_cast %get3A_169 : vector<1x16xf32> to vector<16xf32>
        %lt3A_171 = arith.constant 9.99999993E+36 : f32
        %lt3A_172 = vector.broadcast %lt3A_171 : f32 to vector<16xf32>
        %lt3A_173 = arith.cmpf olt, %get3A_170, %lt3A_172 : vector<16xf32>
        %select_n3A_174 = arith.select %lt3A_173, %get3A_166, %broadcast_in_dim3A_1 : vector<16xi1>, vector<16xf32>
        %swap3A = arith.constant 0 : i32
        %swap3A_175 = arith.constant 0 : i32
        %swap3A_176 = tpu.memref_slice %arg12[%and3A_65, %swap3A, %swap3A_175] : memref<2x36x16xf32, #tpu.memory_space<vmem>> -> memref<1x36x16xf32, #tpu.memory_space<vmem>>
        %swap3A_177 = tpu.memref_squeeze %swap3A_176 : memref<1x36x16xf32, #tpu.memory_space<vmem>> -> memref<36x16xf32, #tpu.memory_space<vmem>>
        %swap3A_178 = arith.index_cast %scan3A_157 : i32 to index
        %swap3A_179 = arith.constant 0 : index
        %swap3A_180 = tpu.vector_load %swap3A_177[%swap3A_178, %swap3A_179] {strides = array<i32>} : memref<36x16xf32, #tpu.memory_space<vmem>>, vector<1x16xf32>,
        %swap3A_181 = vector.shape_cast %swap3A_180 : vector<1x16xf32> to vector<16xf32>
        %swap3A_182 = vector.shape_cast %select_n3A_174 : vector<16xf32> to vector<1x16xf32>
        tpu.vector_store %swap3A_177[%swap3A_178, %swap3A_179], %swap3A_182 {strides = array<i32>} : memref<36x16xf32, #tpu.memory_space<vmem>>, vector<1x16xf32>,
        %scan3A_183 = arith.constant 0 : i32
        scf.yield %scan3A_183 : i32
      }
      %scan3A_139 = arith.constant 36 : i32
      %dma_start3A_140 = arith.constant 0 : i32
      %dma_start3A_141 = arith.constant 0 : i32
      %dma_start3A_142 = tpu.memref_slice %arg12[%and3A_65, %dma_start3A_140, %dma_start3A_141] : memref<2x36x16xf32, #tpu.memory_space<vmem>> -> memref<1x36x16xf32, #tpu.memory_space<vmem>>
      %dma_start3A_143 = tpu.memref_squeeze %dma_start3A_142 : memref<1x36x16xf32, #tpu.memory_space<vmem>> -> memref<36x16xf32, #tpu.memory_space<vmem>>
      %dma_start3A_144 = arith.constant 0 : i32
      %dma_start3A_145 = arith.constant 0 : i32
      %dma_start3A_146 = tpu.memref_slice %arg5[%add3A_64, %dma_start3A_144, %dma_start3A_145] : memref<1024x36x16xf32, #tpu.memory_space<hbm>> -> memref<1x36x16xf32, #tpu.memory_space<hbm>>
      %dma_start3A_147 = tpu.memref_squeeze %dma_start3A_146 : memref<1x36x16xf32, #tpu.memory_space<hbm>> -> memref<36x16xf32, #tpu.memory_space<hbm>>
      %dma_start3A_148 = arith.constant 0 : i32
      %dma_start3A_149 = arith.constant 0 : i32
      %dma_start3A_150 = tpu.memref_slice %arg5[%add3A_64, %dma_start3A_148, %dma_start3A_149] : memref<1024x36x16xf32, #tpu.memory_space<hbm>> -> memref<1x36x16xf32, #tpu.memory_space<hbm>>
      %dma_start3A_151 = tpu.memref_squeeze %dma_start3A_150 : memref<1x36x16xf32, #tpu.memory_space<hbm>> -> memref<36x16xf32, #tpu.memory_space<hbm>>
      %dma_start3A_152 = arith.constant 0 : i32
      %dma_start3A_153 = arith.constant 0 : i32
      %dma_start3A_154 = tpu.memref_slice %arg12[%and3A_65, %dma_start3A_152, %dma_start3A_153] : memref<2x36x16xf32, #tpu.memory_space<vmem>> -> memref<1x36x16xf32, #tpu.memory_space<vmem>>
      %dma_start3A_155 = tpu.memref_squeeze %dma_start3A_154 : memref<1x36x16xf32, #tpu.memory_space<vmem>> -> memref<36x16xf32, #tpu.memory_space<vmem>>
      tpu.enqueue_dma source(%dma_start3A_155 : memref<36x16xf32, #tpu.memory_space<vmem>>) target(%dma_start3A_151 : memref<36x16xf32, #tpu.memory_space<hbm>>) target_semaphore(%arg15 : memref<!tpu.dma_semaphore, #tpu.memory_space<semaphore_mem>>)
      %scan3A_156 = arith.constant 0 : i32
      scf.yield %scan3A_156 : i32
    }
    %scan3A_21 = arith.constant 32 : i32
    %add3A_22 = arith.constant 32 : i32
    %add3A_23 = arith.addi %mul3A_3, %add3A_22 : i32
    %sub3A = arith.constant 2 : i32
    %sub3A_24 = arith.subi %add3A_23, %sub3A : i32
    %dma_wait3A = arith.constant 0 : i32
    %dma_wait3A_25 = arith.constant 0 : i32
    %dma_wait3A_26 = arith.constant 0 : i32
    %dma_wait3A_27 = tpu.memref_slice %arg12[%dma_wait3A, %dma_wait3A_25, %dma_wait3A_26] : memref<2x36x16xf32, #tpu.memory_space<vmem>> -> memref<1x36x16xf32, #tpu.memory_space<vmem>>
    %dma_wait3A_28 = tpu.memref_squeeze %dma_wait3A_27 : memref<1x36x16xf32, #tpu.memory_space<vmem>> -> memref<36x16xf32, #tpu.memory_space<vmem>>
    %dma_wait3A_29 = arith.constant 0 : i32
    %dma_wait3A_30 = arith.constant 0 : i32
    %dma_wait3A_31 = tpu.memref_slice %arg5[%sub3A_24, %dma_wait3A_29, %dma_wait3A_30] : memref<1024x36x16xf32, #tpu.memory_space<hbm>> -> memref<1x36x16xf32, #tpu.memory_space<hbm>>
    %dma_wait3A_32 = tpu.memref_squeeze %dma_wait3A_31 : memref<1x36x16xf32, #tpu.memory_space<hbm>> -> memref<36x16xf32, #tpu.memory_space<hbm>>
    %dma_wait3A_33 = arith.constant 0 : i32
    %dma_wait3A_34 = arith.constant 0 : i32
    %dma_wait3A_35 = tpu.memref_slice %arg5[%sub3A_24, %dma_wait3A_33, %dma_wait3A_34] : memref<1024x36x16xf32, #tpu.memory_space<hbm>> -> memref<1x36x16xf32, #tpu.memory_space<hbm>>
    %dma_wait3A_36 = tpu.memref_squeeze %dma_wait3A_35 : memref<1x36x16xf32, #tpu.memory_space<hbm>> -> memref<36x16xf32, #tpu.memory_space<hbm>>
    %dma_wait3A_37 = arith.constant 0 : i32
    %dma_wait3A_38 = arith.constant 0 : i32
    %dma_wait3A_39 = tpu.memref_slice %arg12[%dma_wait3A, %dma_wait3A_37, %dma_wait3A_38] : memref<2x36x16xf32, #tpu.memory_space<vmem>> -> memref<1x36x16xf32, #tpu.memory_space<vmem>>
    %dma_wait3A_40 = tpu.memref_squeeze %dma_wait3A_39 : memref<1x36x16xf32, #tpu.memory_space<vmem>> -> memref<36x16xf32, #tpu.memory_space<vmem>>
    tpu.wait_dma2 semaphore(%arg15 : memref<!tpu.dma_semaphore, #tpu.memory_space<semaphore_mem>>) src(%dma_wait3A_40 : memref<36x16xf32, #tpu.memory_space<vmem>>) dst(%dma_wait3A_36 : memref<36x16xf32, #tpu.memory_space<hbm>>)
    %add3A_41 = arith.constant 32 : i32
    %add3A_42 = arith.addi %mul3A_3, %add3A_41 : i32
    %sub3A_43 = arith.constant 1 : i32
    %sub3A_44 = arith.subi %add3A_42, %sub3A_43 : i32
    %dma_wait3A_45 = arith.constant 1 : i32
    %dma_wait3A_46 = arith.constant 0 : i32
    %dma_wait3A_47 = arith.constant 0 : i32
    %dma_wait3A_48 = tpu.memref_slice %arg12[%dma_wait3A_45, %dma_wait3A_46, %dma_wait3A_47] : memref<2x36x16xf32, #tpu.memory_space<vmem>> -> memref<1x36x16xf32, #tpu.memory_space<vmem>>
    %dma_wait3A_49 = tpu.memref_squeeze %dma_wait3A_48 : memref<1x36x16xf32, #tpu.memory_space<vmem>> -> memref<36x16xf32, #tpu.memory_space<vmem>>
    %dma_wait3A_50 = arith.constant 0 : i32
    %dma_wait3A_51 = arith.constant 0 : i32
    %dma_wait3A_52 = tpu.memref_slice %arg5[%sub3A_44, %dma_wait3A_50, %dma_wait3A_51] : memref<1024x36x16xf32, #tpu.memory_space<hbm>> -> memref<1x36x16xf32, #tpu.memory_space<hbm>>
    %dma_wait3A_53 = tpu.memref_squeeze %dma_wait3A_52 : memref<1x36x16xf32, #tpu.memory_space<hbm>> -> memref<36x16xf32, #tpu.memory_space<hbm>>
    %dma_wait3A_54 = arith.constant 0 : i32
    %dma_wait3A_55 = arith.constant 0 : i32
    %dma_wait3A_56 = tpu.memref_slice %arg5[%sub3A_44, %dma_wait3A_54, %dma_wait3A_55] : memref<1024x36x16xf32, #tpu.memory_space<hbm>> -> memref<1x36x16xf32, #tpu.memory_space<hbm>>
    %dma_wait3A_57 = tpu.memref_squeeze %dma_wait3A_56 : memref<1x36x16xf32, #tpu.memory_space<hbm>> -> memref<36x16xf32, #tpu.memory_space<hbm>>
    %dma_wait3A_58 = arith.constant 0 : i32
    %dma_wait3A_59 = arith.constant 0 : i32
    %dma_wait3A_60 = tpu.memref_slice %arg12[%dma_wait3A_45, %dma_wait3A_58, %dma_wait3A_59] : memref<2x36x16xf32, #tpu.memory_space<vmem>> -> memref<1x36x16xf32, #tpu.memory_space<vmem>>
    %dma_wait3A_61 = tpu.memref_squeeze %dma_wait3A_60 : memref<1x36x16xf32, #tpu.memory_space<vmem>> -> memref<36x16xf32, #tpu.memory_space<vmem>>
    tpu.wait_dma2 semaphore(%arg15 : memref<!tpu.dma_semaphore, #tpu.memory_space<semaphore_mem>>) src(%dma_wait3A_61 : memref<36x16xf32, #tpu.memory_space<vmem>>) dst(%dma_wait3A_57 : memref<36x16xf32, #tpu.memory_space<hbm>>)
    return
  }
}

module attributes {stable_mosaic.version = 14 : i64} {
  func.func @_dist_kernel(%arg0: i32, %arg1: memref<1024x128xf32, #tpu.memory_space<vmem>>, %arg2: memref<2048x128xf32, #tpu.memory_space<vmem>>, %arg3: memref<1024x2048xf32, #tpu.memory_space<vmem>>, %arg4: memref<1024x128xf32, #tpu.memory_space<vmem>>, %arg5: memref<1x1xf32, #tpu.memory_space<vmem>>, %arg6: memref<1024x1xf32, #tpu.memory_space<vmem>>, %arg7: memref<1xf32, #tpu.memory_space<smem>>, %arg8: memref<1024x256xf32, #tpu.memory_space<vmem>>) attributes {dimension_semantics = [#tpu.dimension_semantics<arbitrary>], iteration_bounds = array<i64: 49>, scalar_prefetch = 0 : i64, scratch_operands = 2 : i64, tpu.core_type = #tpu.core_type<tc>, window_params = [{pipeline_mode = #tpu.pipeline_mode<synchronous>, transform_indices = @transform_0, window_bounds = array<i64: 1024, 128>}, {transform_indices = @transform_1, window_bounds = array<i64: 2048, 128>}, {transform_indices = @transform_2, window_bounds = array<i64: 1024, 2048>}, {transform_indices = @transform_3, window_bounds = array<i64: 1024, 128>}, {pipeline_mode = #tpu.pipeline_mode<synchronous>, transform_indices = @transform_4, window_bounds = array<i64: 1, 1>}, {pipeline_mode = #tpu.pipeline_mode<synchronous>, transform_indices = @transform_5, window_bounds = array<i64: 1024, 1>}]} {
    %eq3A = arith.constant 0 : i32
    %eq3A_0 = arith.cmpi eq, %arg0, %eq3A : i32
    %convert_element_type3A = arith.extui %eq3A_0 : i1 to i32
    %cond3A = arith.constant 0 : i32
    %cond3A_1 = arith.cmpi ne, %convert_element_type3A, %cond3A : i32
    scf.if %cond3A_1 {
      %swap3A_153 = arith.constant 0.000000e+00 : f32
      %swap3A_154 = arith.constant 0 : index
      %swap3A_155 = memref.load %arg7[%swap3A_154] : memref<1xf32, #tpu.memory_space<smem>>
      memref.store %swap3A_153, %arg7[%swap3A_154] : memref<1xf32, #tpu.memory_space<smem>>
      %broadcast_in_dim3A_156 = arith.constant 3.000000e+38 : f32
      %broadcast_in_dim3A_157 = vector.broadcast %broadcast_in_dim3A_156 : f32 to vector<1024x256xf32>
      %swap3A_158 = arith.constant 0 : index
      %swap3A_159 = arith.constant 0 : index
      %swap3A_160 = vector.load %arg8[%swap3A_158, %swap3A_159] : memref<1024x256xf32, #tpu.memory_space<vmem>>, vector<1024x256xf32>
      tpu.vector_store %arg8[%swap3A_158, %swap3A_159], %broadcast_in_dim3A_157 {strides = array<i32>} : memref<1024x256xf32, #tpu.memory_space<vmem>>, vector<1024x256xf32>,
    } else {
    }
    %get3A = arith.constant 0 : index
    %get3A_2 = arith.constant 0 : index
    %get3A_3 = vector.load %arg1[%get3A, %get3A_2] : memref<1024x128xf32, #tpu.memory_space<vmem>>, vector<1024x128xf32>
    %get3A_4 = arith.constant 0 : index
    %get3A_5 = arith.constant 0 : index
    %get3A_6 = vector.load %arg2[%get3A_4, %get3A_5] : memref<2048x128xf32, #tpu.memory_space<vmem>>, vector<2048x128xf32>
    %convert_element_type3A_7 = arith.truncf %get3A_3 : vector<1024x128xf32> to vector<1024x128xbf16>
    %convert_element_type3A_8 = arith.truncf %get3A_6 : vector<2048x128xf32> to vector<2048x128xbf16>
    %dot_general3A = arith.constant dense<0.000000e+00> : vector<1024x2048xf32>
    %dot_general3A_9 = tpu.matmul %convert_element_type3A_7, %convert_element_type3A_8, %dot_general3A {dimension_numbers = #tpu.dot_dimension_numbers<[1], [1], [0], [0], [0, 0, 1, 0], [], []>, transpose_lhs_hint = false} : vector<1024x128xbf16>, vector<2048x128xbf16>, vector<1024x2048xf32> -> vector<1024x2048xf32>
    %mul3A = arith.mulf %get3A_3, %get3A_3 : vector<1024x128xf32>
    %reduce_sum3A = arith.constant dense<0.000000e+00> : vector<1024xf32>
    %reduce_sum3A_10 = vector.multi_reduction <add>, %mul3A, %reduce_sum3A [1] : vector<1024x128xf32> to vector<1024xf32>
    %broadcast_in_dim3A = vector.shape_cast %reduce_sum3A_10 : vector<1024xf32> to vector<1024x1xf32>
    %broadcast_in_dim3A_11 = arith.constant 1.000000e+00 : f32
    %broadcast_in_dim3A_12 = vector.broadcast %broadcast_in_dim3A_11 : f32 to vector<8x128xf32>
    %mul3A_13 = arith.mulf %get3A_6, %get3A_6 : vector<2048x128xf32>
    %dot_general3A_14 = arith.constant dense<0.000000e+00> : vector<8x2048xf32>
    %dot_general3A_15 = tpu.matmul %broadcast_in_dim3A_12, %mul3A_13, %dot_general3A_14 {dimension_numbers = #tpu.dot_dimension_numbers<[1], [1], [0], [0], [0, 0, 1, 0], [], []>, transpose_lhs_hint = false} : vector<8x128xf32>, vector<2048x128xf32>, vector<8x2048xf32> -> vector<8x2048xf32>
    %slice3A = vector.extract_strided_slice %dot_general3A_15 {offsets = [0, 0], sizes = [1, 2048], strides = [1, 1]} : vector<8x2048xf32> to vector<1x2048xf32>
    %add3A = vector.broadcast %broadcast_in_dim3A : vector<1024x1xf32> to vector<1024x2048xf32>
    %add3A_16 = vector.broadcast %slice3A : vector<1x2048xf32> to vector<1024x2048xf32>
    %add3A_17 = arith.addf %add3A, %add3A_16 : vector<1024x2048xf32>
    %mul3A_18 = arith.constant 2.000000e+00 : f32
    %mul3A_19 = vector.broadcast %mul3A_18 : f32 to vector<1024x2048xf32>
    %mul3A_20 = arith.mulf %mul3A_19, %dot_general3A_9 : vector<1024x2048xf32>
    %sub3A = arith.subf %add3A_17, %mul3A_20 : vector<1024x2048xf32>
    %max3A = arith.constant 0.000000e+00 : f32
    %max3A_21 = vector.broadcast %max3A : f32 to vector<1024x2048xf32>
    %max3A_22 = arith.maximumf %sub3A, %max3A_21 : vector<1024x2048xf32>
    %mul3A_23 = arith.constant 2048 : i32
    %mul3A_24 = arith.muli %arg0, %mul3A_23 : i32
    %iota3A = tpu.iota {dimensions = array<i32: 1>} : vector<1024x2048xi32>
    %add3A_25 = vector.broadcast %mul3A_24 : i32 to vector<1024x2048xi32>
    %add3A_26 = arith.addi %add3A_25, %iota3A : vector<1024x2048xi32>
    %lt3A = arith.constant 100000 : i32
    %lt3A_27 = vector.broadcast %lt3A : i32 to vector<1024x2048xi32>
    %lt3A_28 = arith.cmpi slt, %add3A_26, %lt3A_27 : vector<1024x2048xi32>
    %get3A_29 = arith.constant 0 : index
    %get3A_30 = memref.load %arg7[%get3A_29] : memref<1xf32, #tpu.memory_space<smem>>
    %jit3A = arith.constant 0.000000e+00 : f32
    %broadcast_in_dim3A_31 = vector.broadcast %jit3A : f32 to vector<1024x2048xf32>
    %select_n3A = arith.select %lt3A_28, %max3A_22, %broadcast_in_dim3A_31 : vector<1024x2048xi1>, vector<1024x2048xf32>
    %reduce_sum3A_32 = vector.shape_cast %select_n3A : vector<1024x2048xf32> to vector<1x1024x2048xf32>
    %reduce_sum3A_33 = arith.constant dense<0.000000e+00> : vector<1xf32>
    %reduce_sum3A_34 = vector.multi_reduction <add>, %reduce_sum3A_32, %reduce_sum3A_33 [1, 2] : vector<1x1024x2048xf32> to vector<1xf32>
    %reduce_sum3A_35 = vector.shape_cast %reduce_sum3A_34 : vector<1xf32> to vector<1x1x1xf32>
    %reduce_sum3A_36 = vector.extract %reduce_sum3A_35[0, 0, 0] : f32 from vector<1x1x1xf32>
    %add3A_37 = arith.addf %get3A_30, %reduce_sum3A_36 : f32
    %swap3A = arith.constant 0 : index
    %swap3A_38 = memref.load %arg7[%swap3A] : memref<1xf32, #tpu.memory_space<smem>>
    memref.store %add3A_37, %arg7[%swap3A] : memref<1xf32, #tpu.memory_space<smem>>
    %jit3A_39 = arith.constant 3.000000e+38 : f32
    %broadcast_in_dim3A_40 = vector.broadcast %jit3A_39 : f32 to vector<1024x2048xf32>
    %select_n3A_41 = arith.select %lt3A_28, %max3A_22, %broadcast_in_dim3A_40 : vector<1024x2048xi1>, vector<1024x2048xf32>
    %swap3A_42 = arith.constant 0 : index
    %swap3A_43 = arith.constant 0 : index
    %swap3A_44 = vector.load %arg3[%swap3A_42, %swap3A_43] : memref<1024x2048xf32, #tpu.memory_space<vmem>>, vector<1024x2048xf32>
    tpu.vector_store %arg3[%swap3A_42, %swap3A_43], %select_n3A_41 {strides = array<i32>} : memref<1024x2048xf32, #tpu.memory_space<vmem>>, vector<1024x2048xf32>,
    %slice3A_45 = vector.extract_strided_slice %select_n3A_41 {offsets = [0, 0], sizes = [1024, 128], strides = [1, 1]} : vector<1024x2048xf32> to vector<1024x128xf32>
    %slice3A_46 = vector.extract_strided_slice %select_n3A_41 {offsets = [0, 128], sizes = [1024, 128], strides = [1, 1]} : vector<1024x2048xf32> to vector<1024x128xf32>
    %min3A = arith.minimumf %slice3A_45, %slice3A_46 : vector<1024x128xf32>
    %slice3A_47 = vector.extract_strided_slice %select_n3A_41 {offsets = [0, 256], sizes = [1024, 128], strides = [1, 1]} : vector<1024x2048xf32> to vector<1024x128xf32>
    %min3A_48 = arith.minimumf %min3A, %slice3A_47 : vector<1024x128xf32>
    %slice3A_49 = vector.extract_strided_slice %select_n3A_41 {offsets = [0, 384], sizes = [1024, 128], strides = [1, 1]} : vector<1024x2048xf32> to vector<1024x128xf32>
    %min3A_50 = arith.minimumf %min3A_48, %slice3A_49 : vector<1024x128xf32>
    %slice3A_51 = vector.extract_strided_slice %select_n3A_41 {offsets = [0, 512], sizes = [1024, 128], strides = [1, 1]} : vector<1024x2048xf32> to vector<1024x128xf32>
    %min3A_52 = arith.minimumf %min3A_50, %slice3A_51 : vector<1024x128xf32>
    %slice3A_53 = vector.extract_strided_slice %select_n3A_41 {offsets = [0, 640], sizes = [1024, 128], strides = [1, 1]} : vector<1024x2048xf32> to vector<1024x128xf32>
    %min3A_54 = arith.minimumf %min3A_52, %slice3A_53 : vector<1024x128xf32>
    %slice3A_55 = vector.extract_strided_slice %select_n3A_41 {offsets = [0, 768], sizes = [1024, 128], strides = [1, 1]} : vector<1024x2048xf32> to vector<1024x128xf32>
    %min3A_56 = arith.minimumf %min3A_54, %slice3A_55 : vector<1024x128xf32>
    %slice3A_57 = vector.extract_strided_slice %select_n3A_41 {offsets = [0, 896], sizes = [1024, 128], strides = [1, 1]} : vector<1024x2048xf32> to vector<1024x128xf32>
    %min3A_58 = arith.minimumf %min3A_56, %slice3A_57 : vector<1024x128xf32>
    %slice3A_59 = vector.extract_strided_slice %select_n3A_41 {offsets = [0, 1024], sizes = [1024, 128], strides = [1, 1]} : vector<1024x2048xf32> to vector<1024x128xf32>
    %min3A_60 = arith.minimumf %min3A_58, %slice3A_59 : vector<1024x128xf32>
    %slice3A_61 = vector.extract_strided_slice %select_n3A_41 {offsets = [0, 1152], sizes = [1024, 128], strides = [1, 1]} : vector<1024x2048xf32> to vector<1024x128xf32>
    %min3A_62 = arith.minimumf %min3A_60, %slice3A_61 : vector<1024x128xf32>
    %slice3A_63 = vector.extract_strided_slice %select_n3A_41 {offsets = [0, 1280], sizes = [1024, 128], strides = [1, 1]} : vector<1024x2048xf32> to vector<1024x128xf32>
    %min3A_64 = arith.minimumf %min3A_62, %slice3A_63 : vector<1024x128xf32>
    %slice3A_65 = vector.extract_strided_slice %select_n3A_41 {offsets = [0, 1408], sizes = [1024, 128], strides = [1, 1]} : vector<1024x2048xf32> to vector<1024x128xf32>
    %min3A_66 = arith.minimumf %min3A_64, %slice3A_65 : vector<1024x128xf32>
    %slice3A_67 = vector.extract_strided_slice %select_n3A_41 {offsets = [0, 1536], sizes = [1024, 128], strides = [1, 1]} : vector<1024x2048xf32> to vector<1024x128xf32>
    %min3A_68 = arith.minimumf %min3A_66, %slice3A_67 : vector<1024x128xf32>
    %slice3A_69 = vector.extract_strided_slice %select_n3A_41 {offsets = [0, 1664], sizes = [1024, 128], strides = [1, 1]} : vector<1024x2048xf32> to vector<1024x128xf32>
    %min3A_70 = arith.minimumf %min3A_68, %slice3A_69 : vector<1024x128xf32>
    %slice3A_71 = vector.extract_strided_slice %select_n3A_41 {offsets = [0, 1792], sizes = [1024, 128], strides = [1, 1]} : vector<1024x2048xf32> to vector<1024x128xf32>
    %min3A_72 = arith.minimumf %min3A_70, %slice3A_71 : vector<1024x128xf32>
    %slice3A_73 = vector.extract_strided_slice %select_n3A_41 {offsets = [0, 1920], sizes = [1024, 128], strides = [1, 1]} : vector<1024x2048xf32> to vector<1024x128xf32>
    %min3A_74 = arith.minimumf %min3A_72, %slice3A_73 : vector<1024x128xf32>
    %swap3A_75 = arith.constant 0 : index
    %swap3A_76 = arith.constant 0 : index
    %swap3A_77 = vector.load %arg4[%swap3A_75, %swap3A_76] : memref<1024x128xf32, #tpu.memory_space<vmem>>, vector<1024x128xf32>
    tpu.vector_store %arg4[%swap3A_75, %swap3A_76], %min3A_74 {strides = array<i32>} : memref<1024x128xf32, #tpu.memory_space<vmem>>, vector<1024x128xf32>,
    %iota3A_78 = tpu.iota {dimensions = array<i32: 1>} : vector<1024x256xi32>
    %get3A_79 = arith.constant 0 : index
    %get3A_80 = arith.constant 0 : index
    %get3A_81 = vector.load %arg8[%get3A_79, %get3A_80] : memref<1024x256xf32, #tpu.memory_space<vmem>>, vector<1024x256xf32>
    %slice3A_82 = vector.extract_strided_slice %select_n3A_41 {offsets = [0, 0], sizes = [1024, 512], strides = [1, 1]} : vector<1024x2048xf32> to vector<1024x512xf32>
    %reduce_min3A = arith.constant dense<0x7F800000> : vector<1024xf32>
    %reduce_min3A_83 = vector.multi_reduction <minimumf>, %slice3A_82, %reduce_min3A [1] : vector<1024x512xf32> to vector<1024xf32>
    %broadcast_in_dim3A_84 = vector.shape_cast %reduce_min3A_83 : vector<1024xf32> to vector<1024x1xf32>
    %mul3A_85 = arith.constant 4 : i32
    %mul3A_86 = arith.muli %arg0, %mul3A_85 : i32
    %add3A_87 = arith.constant 0 : i32
    %add3A_88 = arith.addi %mul3A_86, %add3A_87 : i32
    %eq3A_89 = vector.broadcast %add3A_88 : i32 to vector<1024x256xi32>
    %eq3A_90 = arith.cmpi eq, %iota3A_78, %eq3A_89 : vector<1024x256xi32>
    %jit3A_91 = arith.constant 3.000000e+38 : f32
    %broadcast_in_dim3A_92 = vector.shape_cast %broadcast_in_dim3A_84 : vector<1024x1xf32> to vector<1024x1xf32>
    %broadcast_in_dim3A_93 = vector.broadcast %broadcast_in_dim3A_92 : vector<1024x1xf32> to vector<1024x256xf32>
    %broadcast_in_dim3A_94 = vector.broadcast %jit3A_91 : f32 to vector<1024x256xf32>
    %select_n3A_95 = arith.select %eq3A_90, %broadcast_in_dim3A_93, %broadcast_in_dim3A_94 : vector<1024x256xi1>, vector<1024x256xf32>
    %min3A_96 = arith.minimumf %get3A_81, %select_n3A_95 : vector<1024x256xf32>
    %slice3A_97 = vector.extract_strided_slice %select_n3A_41 {offsets = [0, 512], sizes = [1024, 512], strides = [1, 1]} : vector<1024x2048xf32> to vector<1024x512xf32>
    %reduce_min3A_98 = arith.constant dense<0x7F800000> : vector<1024xf32>
    %reduce_min3A_99 = vector.multi_reduction <minimumf>, %slice3A_97, %reduce_min3A_98 [1] : vector<1024x512xf32> to vector<1024xf32>
    %broadcast_in_dim3A_100 = vector.shape_cast %reduce_min3A_99 : vector<1024xf32> to vector<1024x1xf32>
    %mul3A_101 = arith.constant 4 : i32
    %mul3A_102 = arith.muli %arg0, %mul3A_101 : i32
    %add3A_103 = arith.constant 1 : i32
    %add3A_104 = arith.addi %mul3A_102, %add3A_103 : i32
    %eq3A_105 = vector.broadcast %add3A_104 : i32 to vector<1024x256xi32>
    %eq3A_106 = arith.cmpi eq, %iota3A_78, %eq3A_105 : vector<1024x256xi32>
    %jit3A_107 = arith.constant 3.000000e+38 : f32
    %broadcast_in_dim3A_108 = vector.shape_cast %broadcast_in_dim3A_100 : vector<1024x1xf32> to vector<1024x1xf32>
    %broadcast_in_dim3A_109 = vector.broadcast %broadcast_in_dim3A_108 : vector<1024x1xf32> to vector<1024x256xf32>
    %broadcast_in_dim3A_110 = vector.broadcast %jit3A_107 : f32 to vector<1024x256xf32>
    %select_n3A_111 = arith.select %eq3A_106, %broadcast_in_dim3A_109, %broadcast_in_dim3A_110 : vector<1024x256xi1>, vector<1024x256xf32>
    %min3A_112 = arith.minimumf %min3A_96, %select_n3A_111 : vector<1024x256xf32>
    %slice3A_113 = vector.extract_strided_slice %select_n3A_41 {offsets = [0, 1024], sizes = [1024, 512], strides = [1, 1]} : vector<1024x2048xf32> to vector<1024x512xf32>
    %reduce_min3A_114 = arith.constant dense<0x7F800000> : vector<1024xf32>
    %reduce_min3A_115 = vector.multi_reduction <minimumf>, %slice3A_113, %reduce_min3A_114 [1] : vector<1024x512xf32> to vector<1024xf32>
    %broadcast_in_dim3A_116 = vector.shape_cast %reduce_min3A_115 : vector<1024xf32> to vector<1024x1xf32>
    %mul3A_117 = arith.constant 4 : i32
    %mul3A_118 = arith.muli %arg0, %mul3A_117 : i32
    %add3A_119 = arith.constant 2 : i32
    %add3A_120 = arith.addi %mul3A_118, %add3A_119 : i32
    %eq3A_121 = vector.broadcast %add3A_120 : i32 to vector<1024x256xi32>
    %eq3A_122 = arith.cmpi eq, %iota3A_78, %eq3A_121 : vector<1024x256xi32>
    %jit3A_123 = arith.constant 3.000000e+38 : f32
    %broadcast_in_dim3A_124 = vector.shape_cast %broadcast_in_dim3A_116 : vector<1024x1xf32> to vector<1024x1xf32>
    %broadcast_in_dim3A_125 = vector.broadcast %broadcast_in_dim3A_124 : vector<1024x1xf32> to vector<1024x256xf32>
    %broadcast_in_dim3A_126 = vector.broadcast %jit3A_123 : f32 to vector<1024x256xf32>
    %select_n3A_127 = arith.select %eq3A_122, %broadcast_in_dim3A_125, %broadcast_in_dim3A_126 : vector<1024x256xi1>, vector<1024x256xf32>
    %min3A_128 = arith.minimumf %min3A_112, %select_n3A_127 : vector<1024x256xf32>
    %slice3A_129 = vector.extract_strided_slice %select_n3A_41 {offsets = [0, 1536], sizes = [1024, 512], strides = [1, 1]} : vector<1024x2048xf32> to vector<1024x512xf32>
    %reduce_min3A_130 = arith.constant dense<0x7F800000> : vector<1024xf32>
    %reduce_min3A_131 = vector.multi_reduction <minimumf>, %slice3A_129, %reduce_min3A_130 [1] : vector<1024x512xf32> to vector<1024xf32>
    %broadcast_in_dim3A_132 = vector.shape_cast %reduce_min3A_131 : vector<1024xf32> to vector<1024x1xf32>
    %mul3A_133 = arith.constant 4 : i32
    %mul3A_134 = arith.muli %arg0, %mul3A_133 : i32
    %add3A_135 = arith.constant 3 : i32
    %add3A_136 = arith.addi %mul3A_134, %add3A_135 : i32
    %eq3A_137 = vector.broadcast %add3A_136 : i32 to vector<1024x256xi32>
    %eq3A_138 = arith.cmpi eq, %iota3A_78, %eq3A_137 : vector<1024x256xi32>
    %jit3A_139 = arith.constant 3.000000e+38 : f32
    %broadcast_in_dim3A_140 = vector.shape_cast %broadcast_in_dim3A_132 : vector<1024x1xf32> to vector<1024x1xf32>
    %broadcast_in_dim3A_141 = vector.broadcast %broadcast_in_dim3A_140 : vector<1024x1xf32> to vector<1024x256xf32>
    %broadcast_in_dim3A_142 = vector.broadcast %jit3A_139 : f32 to vector<1024x256xf32>
    %select_n3A_143 = arith.select %eq3A_138, %broadcast_in_dim3A_141, %broadcast_in_dim3A_142 : vector<1024x256xi1>, vector<1024x256xf32>
    %min3A_144 = arith.minimumf %min3A_128, %select_n3A_143 : vector<1024x256xf32>
    %swap3A_145 = arith.constant 0 : index
    %swap3A_146 = arith.constant 0 : index
    %swap3A_147 = vector.load %arg8[%swap3A_145, %swap3A_146] : memref<1024x256xf32, #tpu.memory_space<vmem>>, vector<1024x256xf32>
    tpu.vector_store %arg8[%swap3A_145, %swap3A_146], %min3A_144 {strides = array<i32>} : memref<1024x256xf32, #tpu.memory_space<vmem>>, vector<1024x256xf32>,
    %eq3A_148 = arith.constant 48 : i32
    %eq3A_149 = arith.cmpi eq, %arg0, %eq3A_148 : i32
    %convert_element_type3A_150 = arith.extui %eq3A_149 : i1 to i32
    %cond3A_151 = arith.constant 0 : i32
    %cond3A_152 = arith.cmpi ne, %convert_element_type3A_150, %cond3A_151 : i32
    scf.if %cond3A_152 {
      %get3A_153 = arith.constant 0 : index
      %get3A_154 = memref.load %arg7[%get3A_153] : memref<1xf32, #tpu.memory_space<smem>>
      %broadcast_in_dim3A_155 = vector.broadcast %get3A_154 : f32 to vector<1x1xf32>
      %swap3A_156 = arith.constant 0 : index
      %swap3A_157 = arith.constant 0 : index
      %swap3A_158 = vector.load %arg5[%swap3A_156, %swap3A_157] : memref<1x1xf32, #tpu.memory_space<vmem>>, vector<1x1xf32>
      tpu.vector_store %arg5[%swap3A_156, %swap3A_157], %broadcast_in_dim3A_155 {strides = array<i32>} : memref<1x1xf32, #tpu.memory_space<vmem>>, vector<1x1xf32>,
      %get3A_159 = arith.constant 0 : index
      %get3A_160 = arith.constant 0 : index
      %get3A_161 = vector.load %arg8[%get3A_159, %get3A_160] : memref<1024x256xf32, #tpu.memory_space<vmem>>, vector<1024x256xf32>
      %broadcast_in_dim3A_162 = arith.constant 0.000000e+00 : f32
      %broadcast_in_dim3A_163 = vector.broadcast %broadcast_in_dim3A_162 : f32 to vector<1024x1xf32>
      %scan3A = arith.constant 0 : i32
      %scan3A_164 = arith.constant 32 : i32
      %scan3A_165 = arith.addi %scan3A, %scan3A_164 : i32
      %scan3A_166 = arith.constant 1 : i32
      %scan3A_167:2 = scf.for %scan3A_171 = %scan3A to %scan3A_165 step %scan3A_166 iter_args(%scan3A_172 = %get3A_161, %scan3A_173 = %broadcast_in_dim3A_163) -> (vector<1024x256xf32>, vector<1024x1xf32>)  : i32 {
        %reduce_min3A_174 = arith.constant dense<0x7F800000> : vector<1024xf32>
        %reduce_min3A_175 = vector.multi_reduction <minimumf>, %scan3A_172, %reduce_min3A_174 [1] : vector<1024x256xf32> to vector<1024xf32>
        %broadcast_in_dim3A_176 = vector.shape_cast %reduce_min3A_175 : vector<1024xf32> to vector<1024x1xf32>
        %eq3A_177 = vector.broadcast %broadcast_in_dim3A_176 : vector<1024x1xf32> to vector<1024x256xf32>
        %eq3A_178 = arith.cmpf oeq, %scan3A_172, %eq3A_177 : vector<1024x256xf32>
        %jit3A_179 = arith.constant 3.000000e+38 : f32
        %broadcast_in_dim3A_180 = vector.broadcast %jit3A_179 : f32 to vector<1024x256xf32>
        %select_n3A_181 = arith.select %eq3A_178, %broadcast_in_dim3A_180, %scan3A_172 : vector<1024x256xi1>, vector<1024x256xf32>
        scf.yield %select_n3A_181, %broadcast_in_dim3A_176 : vector<1024x256xf32>, vector<1024x1xf32>
      }
      %swap3A_168 = arith.constant 0 : index
      %swap3A_169 = arith.constant 0 : index
      %swap3A_170 = vector.load %arg6[%swap3A_168, %swap3A_169] : memref<1024x1xf32, #tpu.memory_space<vmem>>, vector<1024x1xf32>
      tpu.vector_store %arg6[%swap3A_168, %swap3A_169], %scan3A_167#1 {strides = array<i32>} : memref<1024x1xf32, #tpu.memory_space<vmem>>, vector<1024x1xf32>,
    } else {
    }
    return
  }
  func.func @transform_0(%arg0: i32) -> (i32, i32) {
    %c0_i32 = arith.constant 0 : i32
    %c0_i32_0 = arith.constant 0 : i32
    %c0_i32_1 = arith.constant 0 : i32
    return %c0_i32, %c0_i32_0 : i32, i32
  }
  func.func @transform_1(%arg0: i32) -> (i32, i32) {
    %c0_i32 = arith.constant 0 : i32
    %c0_i32_0 = arith.constant 0 : i32
    return %arg0, %c0_i32 : i32, i32
  }
  func.func @transform_2(%arg0: i32) -> (i32, i32) {
    %c0_i32 = arith.constant 0 : i32
    %c0_i32_0 = arith.constant 0 : i32
    return %c0_i32, %arg0 : i32, i32
  }
  func.func @transform_3(%arg0: i32) -> (i32, i32) {
    %c0_i32 = arith.constant 0 : i32
    %c0_i32_0 = arith.constant 0 : i32
    return %c0_i32, %arg0 : i32, i32
  }
  func.func @transform_4(%arg0: i32) -> (i32, i32) {
    %c0_i32 = arith.constant 0 : i32
    %c0_i32_0 = arith.constant 0 : i32
    %c0_i32_1 = arith.constant 0 : i32
    return %c0_i32, %c0_i32_0 : i32, i32
  }
  func.func @transform_5(%arg0: i32) -> (i32, i32) {
    %c0_i32 = arith.constant 0 : i32
    %c0_i32_0 = arith.constant 0 : i32
    %c0_i32_1 = arith.constant 0 : i32
    return %c0_i32, %c0_i32_0 : i32, i32
  }
}

module attributes {stable_mosaic.version = 14 : i64} {
  func.func @_final_kernel(%arg0: memref<1024x576xf32, #tpu.memory_space<vmem>>, %arg1: memref<1x1xf32, #tpu.memory_space<smem>>, %arg2: memref<1024x1xf32, #tpu.memory_space<vmem>>, %arg3: memref<1024x576xf32, #tpu.memory_space<vmem>>) attributes {dimension_semantics = [], scalar_prefetch = 0 : i64, scratch_operands = 1 : i64, tpu.core_type = #tpu.core_type<tc>} {
    %get3A = arith.constant 0 : index
    %get3A_0 = arith.constant 0 : index
    %get3A_1 = vector.load %arg0[%get3A, %get3A_0] : memref<1024x576xf32, #tpu.memory_space<vmem>>, vector<1024x576xf32>
    %swap3A = arith.constant 0 : index
    %swap3A_2 = arith.constant 0 : index
    %swap3A_3 = vector.load %arg3[%swap3A, %swap3A_2] : memref<1024x576xf32, #tpu.memory_space<vmem>>, vector<1024x576xf32>
    tpu.vector_store %arg3[%swap3A, %swap3A_2], %get3A_1 {strides = array<i32>} : memref<1024x576xf32, #tpu.memory_space<vmem>>, vector<1024x576xf32>,
    %get3A_4 = arith.constant 0 : index
    %get3A_5 = arith.constant 0 : index
    %get3A_6 = memref.load %arg1[%get3A_4, %get3A_5] : memref<1x1xf32, #tpu.memory_space<smem>>
    %div3A = arith.constant 1.024000e+08 : f32
    %div3A_7 = arith.divf %get3A_6, %div3A : f32
    %broadcast_in_dim3A = arith.constant 3.000000e+38 : f32
    %broadcast_in_dim3A_8 = vector.broadcast %broadcast_in_dim3A : f32 to vector<1024x32xf32>
    %scan3A = arith.constant 0 : i32
    %scan3A_9 = arith.constant 32 : i32
    %scan3A_10 = arith.addi %scan3A, %scan3A_9 : i32
    %scan3A_11 = arith.constant 1 : i32
    %scan3A_12 = scf.for %scan3A_28 = %scan3A to %scan3A_10 step %scan3A_11 iter_args(%scan3A_29 = %broadcast_in_dim3A_8) -> (vector<1024x32xf32>)  : i32 {
      %get3A_30 = arith.constant 0 : index
      %get3A_31 = arith.constant 0 : index
      %get3A_32 = vector.load %arg3[%get3A_30, %get3A_31] : memref<1024x576xf32, #tpu.memory_space<vmem>>, vector<1024x576xf32>
      %reduce_min3A = arith.constant dense<0x7F800000> : vector<1024xf32>
      %reduce_min3A_33 = vector.multi_reduction <minimumf>, %get3A_32, %reduce_min3A [1] : vector<1024x576xf32> to vector<1024xf32>
      %broadcast_in_dim3A_34 = vector.shape_cast %reduce_min3A_33 : vector<1024xf32> to vector<1024x1xf32>
      %broadcast_in_dim3A_35 = arith.constant -3.000000e+38 : f32
      %broadcast_in_dim3A_36 = vector.broadcast %broadcast_in_dim3A_35 : f32 to vector<1024x1xf32>
      %slice3A = vector.extract_strided_slice %scan3A_29 {offsets = [0, 0], sizes = [1024, 31], strides = [1, 1]} : vector<1024x32xf32> to vector<1024x31xf32>
      %concatenate3A = tpu.concatenate %broadcast_in_dim3A_36, %slice3A in 1 : vector<1024x1xf32>, vector<1024x31xf32> -> vector<1024x32xf32>
      %max3A = vector.broadcast %broadcast_in_dim3A_34 : vector<1024x1xf32> to vector<1024x32xf32>
      %max3A_37 = arith.maximumf %concatenate3A, %max3A : vector<1024x32xf32>
      %min3A = arith.minimumf %scan3A_29, %max3A_37 : vector<1024x32xf32>
      %eq3A = vector.broadcast %broadcast_in_dim3A_34 : vector<1024x1xf32> to vector<1024x576xf32>
      %eq3A_38 = arith.cmpf oeq, %get3A_32, %eq3A : vector<1024x576xf32>
      %jit3A = arith.constant 3.000000e+38 : f32
      %broadcast_in_dim3A_39 = vector.broadcast %jit3A : f32 to vector<1024x576xf32>
      %select_n3A = arith.select %eq3A_38, %broadcast_in_dim3A_39, %get3A_32 : vector<1024x576xi1>, vector<1024x576xf32>
      %swap3A_40 = arith.constant 0 : index
      %swap3A_41 = arith.constant 0 : index
      %swap3A_42 = vector.load %arg3[%swap3A_40, %swap3A_41] : memref<1024x576xf32, #tpu.memory_space<vmem>>, vector<1024x576xf32>
      tpu.vector_store %arg3[%swap3A_40, %swap3A_41], %select_n3A {strides = array<i32>} : memref<1024x576xf32, #tpu.memory_space<vmem>>, vector<1024x576xf32>,
      scf.yield %min3A : vector<1024x32xf32>
    }
    %div3A_13 = vector.broadcast %div3A_7 : f32 to vector<1024x32xf32>
    %div3A_14 = arith.divf %scan3A_12, %div3A_13 : vector<1024x32xf32>
    %add3A = arith.constant 9.99999974E-6 : f32
    %add3A_15 = vector.broadcast %add3A : f32 to vector<1024x32xf32>
    %add3A_16 = arith.addf %div3A_14, %add3A_15 : vector<1024x32xf32>
    %div3A_17 = arith.constant 9.99999974E-6 : f32
    %div3A_18 = vector.broadcast %div3A_17 : f32 to vector<1024x32xf32>
    %div3A_19 = arith.divf %div3A_18, %add3A_16 : vector<1024x32xf32>
    %reduce_sum3A = arith.constant dense<0.000000e+00> : vector<1024xf32>
    %reduce_sum3A_20 = vector.multi_reduction <add>, %div3A_19, %reduce_sum3A [1] : vector<1024x32xf32> to vector<1024xf32>
    %broadcast_in_dim3A_21 = vector.shape_cast %reduce_sum3A_20 : vector<1024xf32> to vector<1024x1xf32>
    %add3A_22 = arith.constant 9.99999974E-6 : f32
    %add3A_23 = vector.broadcast %add3A_22 : f32 to vector<1024x1xf32>
    %add3A_24 = arith.addf %broadcast_in_dim3A_21, %add3A_23 : vector<1024x1xf32>
    %rsqrt3A = math.rsqrt %add3A_24 : vector<1024x1xf32>
    %swap3A_25 = arith.constant 0 : index
    %swap3A_26 = arith.constant 0 : index
    %swap3A_27 = vector.load %arg2[%swap3A_25, %swap3A_26] : memref<1024x1xf32, #tpu.memory_space<vmem>>, vector<1024x1xf32>
    tpu.vector_store %arg2[%swap3A_25, %swap3A_26], %rsqrt3A {strides = array<i32>} : memref<1024x1xf32, #tpu.memory_space<vmem>>, vector<1024x1xf32>,
    return
  }
}

</mosaic_0001>

<sc_bundles>
// kernel: _episodic_reward.5.cloned.1.call-start
scs
__scs_entry_jumppad:
0x0: {  	(pc) =	sbr.rel $0x88, $3  }
0x1: {  	(tag) =	ssettag $0x0;
	lr =	simm.s32 $0x1  }
0x2: {  	[smem:$0x3F9F] =	sst lr;
	_ =	strace $0xD0000000  }
0x3: {  	_ = 	snop  }
0x4: {  	_ = 	snop  }
0x5: {  	_ = 	snop  }
0x6: {  	_ = 	snop  }
0x7: {  	_ = 	snop  }
__scs_overlays_trampoline_lowered:
0x8: {  	[smem:$0x3FAE] =	sst s0  }
0x9: {  	[smem:$0x3FAF] =	sst s1  }
0xa: {  	[smem:$0x3FB0] =	sst s2  }
0xb: {  	[smem:$0x3FB1] =	sst s3  }
0xc: {  	[smem:$0x3FB2] =	sst s4  }
0xd: {  	[smem:$0x3FB3] =	sst s5  }
0xe: {  	[smem:$0x3FB4] =	sst s6  }
0xf: {  	[smem:$0x3FB5] =	sst s7  }
0x10: {  	[smem:$0x3FB6] =	sst s8  }
0x11: {  	[smem:$0x3FB7] =	sst s9;
	s0 =	simm.s32 @!p0 $0x0  }
0x12: {  	s1 =	sld [smem:$0x3F9D];
	s0 =	simm.s32 @p0 $0x1  }
0x13: {  	[smem:$0x3FB8] =	sst s0;
	s0 =	simm.s32 @!p1 $0x0  }
0x14: {  	s2 =	sld [smem:$0x3F9C];
	s0 =	simm.s32 @p1 $0x1  }
0x15: {  	[smem:$0x3FB9] =	sst s0;
	s0 =	simm.s32 @!p2 $0x0  }
0x16: {  	s3 =	sld [smem:$0x3FDB];
	s0 =	simm.s32 @p2 $0x1  }
0x17: {  	s4 =	simm.s32 $0x1BF5;
	[smem:$0x3FBB] =	sst s0  }
0x18: {  	s0 =	sld [smem:$0x3F9E];
	_ =	swait.ge [sflag:s4], $0x0  }
0x19: {  	s7 =	sld [smem:$0x3F9F]  }
0x1a: {  	s8 =	sadd.s32 $0xFFFFE003, lr  }
0x1b: {  	s9 =	sadd.s32 $0xFFFFFEF7, lr;
	s5 =	simm.s32 $0xFFFFFFFF;
	p2 =	slt.u32 s8, $0xFFFFF086  }
0x1c: {  	p1 =	slt.u32 s9, $0xF7A;
	s5 =	simm.s32 @!p2 $0x0  }
0x1d: {  	s5 =	simm.s32 @p1 $0x1;
	p0 =	seq.s32 s7, s2  }
0x1e: {  	s7 =	smul.u32 @!p0 $0xF7A, s2;
	p2 =	seq.s32 @!p0 s5, $0x0  }
0x1f: {  	s9 =	smul.u32 $0xF7A, s1;
	s8 =	simm.s32 @!p0 $0x1BF5;
	p2 =	por !p2, p0  }
0x20: {  	[sflag:s8] =	ssyncset.s32 @!p0 $0xFFFFF086;
	s6 =	sadd.s32 @!p0 s3, s7;
	s7 =	simm.s32 @!p0 $0x108  }
0x21: {  	s3 =	sadd.s32 s3, s9;
	s6 =	sadd.s32 @!p0 $0x88, s6;
	s7 =	simm.s32 @p2 $0x1082  }
0x22: {  	[simem:s7], [sflag:s8] =	dma.local @!p0 [hbm:s6], $0xF7A  }
0x23: {  	s9 =	sor.u32 $0xD0000000, s2;
	s6 =	simm.s32 $0x108;
	_ =	swait.ge @!p0 [sflag:s8], $0x0  }
0x24: {  	s3 =	sadd.s32 $0x88, s3;
	s6 =	simm.s32 @!p1 $0x1082;
	[sflag:s4] =	ssyncset.s32 $0xFFFFF086  }
0x25: {  	[simem:s6], [sflag:s4] =	dma.local [hbm:s3], $0xF7A  }
0x26: {  	[smem:$0x3F9F] =	sst s1;
	(tag) =	ssettag s2;
	_ =	strace s9  }
0x27: {  	s1 =	sld [smem:$0x3FAF]  }
0x28: {  	s2 =	sld [smem:$0x3FB0]  }
0x29: {  	s4 =	sld [smem:$0x3FB2]  }
0x2a: {  	p0 =	seq.s32 s5, $0x0;
	s5 =	sld [smem:$0x3FB3]  }
0x2b: {  	s6 =	sld [smem:$0x3FB4]  }
0x2c: {  	s7 =	sld [smem:$0x3FB5]  }
0x2d: {  	s3 =	simm.s32 $0x108;
	s8 =	sld [smem:$0x3FB6]  }
0x2e: {  	s3 =	simm.s32 @!p0 $0x1082;
	s9 =	sld [smem:$0x3FB7]  }
0x2f: {  	lr =	sadd.s32 s0, s3;
	s0 =	sld [smem:$0x3FAE]  }
0x30: {  	s3 =	sld [smem:$0x3FB1]  }
0x31: {  	[smem:$0x3FBA] =	sst s10  }
0x32: {  	s10 =	sld [smem:$0x3FB8];
	_ =	sdelay $0x3  }
0x33: {  	p0 =	seq.s32 s10, $0x1;
	s10 =	sld [smem:$0x3FBA];
	_ =	sdelay $0x3  }
0x34: {  	[smem:$0x3FBA] =	sst s10  }
0x35: {  	s10 =	sld [smem:$0x3FB9];
	_ =	sdelay $0x3  }
0x36: {  	p1 =	seq.s32 s10, $0x1;
	s10 =	sld [smem:$0x3FBA];
	_ =	sdelay $0x3  }
0x37: {  	[smem:$0x3FBA] =	sst s10  }
0x38: {  	s10 =	sld [smem:$0x3FBB]  }
0x39: {  	_ = 	snop;
	(pc) =	sbr.ind lr, $3  }
0x3a: {  	_ = 	snop  }
0x3b: {  	_ = 	snop  }
0x3c: {  	p2 =	seq.s32 s10, $0x1;
	s10 =	sld [smem:$0x3FBA]  }
0x3d: {  	_ =	shalt  }
0x3e: {  	_ =	shalt  }
0x3f: {  	_ =	shalt  }
0x40: {  	_ =	shalt  }
0x41: {  	_ =	shalt  }
0x42: {  	_ =	shalt  }
0x43: {  	_ =	shalt  }
0x44: {  	_ =	shalt  }
0x45: {  	_ =	shalt  }
0x46: {  	_ =	shalt  }
0x47: {  	_ =	shalt  }
0x48: {  	_ =	shalt  }
0x49: {  	_ =	shalt  }
0x4a: {  	_ =	shalt  }
0x4b: {  	_ =	shalt  }
0x4c: {  	_ =	shalt  }
0x4d: {  	_ =	shalt  }
0x4e: {  	_ =	shalt  }
0x4f: {  	_ =	shalt  }
0x50: {  	_ =	shalt  }
0x51: {  	_ =	shalt  }
0x52: {  	_ =	shalt  }
0x53: {  	_ =	shalt  }
0x54: {  	_ =	shalt  }
0x55: {  	_ =	shalt  }
0x56: {  	_ =	shalt  }
0x57: {  	_ =	shalt  }
0x58: {  	_ =	shalt  }
0x59: {  	_ =	shalt  }
0x5a: {  	_ =	shalt  }
0x5b: {  	_ =	shalt  }
0x5c: {  	_ =	shalt  }
0x5d: {  	_ =	shalt  }
0x5e: {  	_ =	shalt  }
0x5f: {  	_ =	shalt  }
0x60: {  	_ =	shalt  }
0x61: {  	_ =	shalt  }
0x62: {  	_ =	shalt  }
0x63: {  	_ =	shalt  }
0x64: {  	_ =	shalt  }
0x65: {  	_ =	shalt  }
0x66: {  	_ =	shalt  }
0x67: {  	_ =	shalt  }
0x68: {  	_ =	shalt  }
0x69: {  	_ =	shalt  }
0x6a: {  	_ =	shalt  }
0x6b: {  	_ =	shalt  }
0x6c: {  	_ =	shalt  }
0x6d: {  	_ =	shalt  }
0x6e: {  	_ =	shalt  }
0x6f: {  	_ =	shalt  }
0x70: {  	_ =	shalt  }
0x71: {  	_ =	shalt  }
0x72: {  	_ =	shalt  }
0x73: {  	_ =	shalt  }
0x74: {  	_ =	shalt  }
0x75: {  	_ =	shalt  }
0x76: {  	_ =	shalt  }
0x77: {  	_ =	shalt  }
0x78: {  	_ =	shalt  }
0x79: {  	_ =	shalt  }
0x7a: {  	_ =	shalt  }
0x7b: {  	_ =	shalt  }
0x7c: {  	_ =	shalt  }
0x7d: {  	_ =	shalt  }
0x7e: {  	_ =	shalt  }
0x7f: {  	_ =	shalt  }
0x80: {  	_ =	shalt  }
0x81: {  	_ =	shalt  }
0x82: {  	_ =	shalt  }
0x83: {  	_ =	shalt  }
0x84: {  	_ =	shalt  }
0x85: {  	_ =	shalt  }
0x86: {  	_ =	shalt  }
0x87: {  	_ =	shalt  }
.Lfunc_end0:
.L_simem_size_0:
called_computation.1_lowered:
.L_overlay_start_0:
0x88: {  	s2 =	sld [smem:$0x3FD9]  }
0x89: {  	s3 =	sld [smem:$0x3FFE];
	_ =	sdelay $0x1  }
0x8a: {  	s1 =	srdreg.scid  }
0x8b: {  	s0 =	sand.u32 $0x1, s1  }
0x8c: {  	s17 =	sshll.u32 s0, $0xA;
	s2 =	sadd.s32 s3, s2  }
0x8d: {  	s2 =	sadd.s32 s2, s17  }
0x8e: {  	[smem:$0x3FC6] =	sst s2  }
0x8f: {  	_ = 	snop  }
0x90: {  	s2 =	sld [smem:$0x3FD0];
	(tm) =	ssettm $0x1  }
0x91: {  	s18 =	sld [smem:$0x3FFB];
	_ =	sdelay $0x3  }
0x92: {  	_ =	strace s18  }
0x93: {  	s3 =	sld [smem:$0x3FFC];
	_ =	sdelay $0x3  }
0x94: {  	_ =	strace s3  }
0x95: {  	s3 =	sld [smem:$0x3FFD];
	_ =	sdelay $0x3  }
0x96: {  	_ =	strace s3  }
0x97: {  	_ =	strace $0x8FFFFFFF  }
0x98: {  	s19 =	sld [smem:$0x3FDB];
	_ =	sdelay $0x1  }
0x99: {  	s4 =	simm.s32 $_scs_section_size  }
0x9a: {  	s5 =	simm.s32 $_size__tile_overlayer_lowered;
	s6 =	simm.s32 $_tile_overlayer_lowered  }
0x9b: {  	s22 =	simm.s32 $0x1BFF;
	s21 =	sshll.u32 s6, $0x1;
	s3 =	sadd.s32 s4, s19  }
0x9c: {  	s7 =	simm.s32 $0x0;
	s20 =	sshll.u32 s5, $0x1;
	s5 =	sadd.s32 s21, s3  }
0x9d: {  	[timem:s7], [sflag:s22] =	dma.local [hbm:s5], s20  }
0x9e: {  	_ =	swait.ge [sflag:s22], s20  }
0x9f: {  	s4 =	ssub.s32 $0x0, s20;
	[sflag:s22] =	ssyncset.done $0x0  }
0xa0: {  	[sflag:s22] =	ssyncadd.s32 s4;
	_ =	sdelay $0x1  }
0xa1: {  	s23 =	simm.s32 $0x1B8B  }
0xa2: {  	_ =	swait.ge [sflag:s23], $0x1  }
0xa3: {  	[sflag:s23] =	ssyncset.done $0x0  }
0xa4: {  	s25 =	simm.s32 $0x1B8E;
	s24 =	sld [smem:$0x3FFE];
	[sflag:s23] =	ssyncadd.s32 $0xFFFFFFFF  }
0xa5: {  	s26 =	simm.s32 $execute0_lowered;
	[smem:$0x3FD2] =	sst s25  }
0xa6: {  	s5 =	sshll.u32 s26, $0x1;
	_ =	strace $0x80000049;
	[dreg:$0x1] =	wrdreg $0xFFFFFFFF  }
0xa7: {  	s28 =	simm.s32 $_size_execute0_lowered;
	s3 =	sadd.s32 s3, s5;
	[dreg:$0x0] =	wrdreg $0x0  }
0xa8: {  	s5 =	sshll.u32 s28, $0x1;
	[dreg:$0x2] =	wrdreg s3  }
0xa9: {  	[dreg:$0x3] =	wrdreg s5  }
0xaa: {  	[dreg:$0x4] =	wrdreg $0xC0  }
0xab: {  	_ =	task [dreg:s7], $0x5FFFF  }
0xac: {  	[dreg:$0x1] =	wrdreg $0xFFFFFFFF  }
0xad: {  	[dreg:$0x0] =	wrdreg $0x60  }
0xae: {  	[dreg:$0x2] =	wrdreg s24  }
0xaf: {  	[dreg:$0x3] =	wrdreg s2  }
0xb0: {  	[dreg:$0x4] =	wrdreg $0x9  }
0xb1: {  	_ =	task.clear_ibuf [dreg:s7], $0x5FFFF;
	_ =	strace $0x90000049  }
0xb2: {  	s29 =	simm.s32 $0x9;
	_ =	strace $0x8000004B  }
0xb3: {  	_ =	swait.ge [sflag:s29], $0x1  }
0xb4: {  	[sflag:s29] =	ssyncadd.s32 $0xFFFFFFFF  }
0xb5: {  	_ =	strace $0x9000004B  }
0xb6: {  	_ =	sfence  }
0xb7: {  	s30 =	sld [smem:$0x0];
	_ =	sdelay $0x2  }
0xb8: {  	s31 =	sshll.u32 s1, $0xD;
	s1 =	sshrl.u32 s1, $0x2  }
0xb9: {  	s3 =	sand.u32 $0x4000, s31;
	s1 =	sadd.s32 s1, s30  }
0xba: {  	s0 =	sor.u32 s3, s0;
	s1 =	sshll.u32 s1, $0x11  }
0xbb: {  	s0 =	sor.u32 s1, s0  }
0xbc: {  	s0 =	sadd.s32 $0x8F2B, s0  }
0xbd: {  	[sflag:s0] =	ssyncadd.remote.s32 $0x1  }
0xbe: {  	_ =	sfence.sel $0xFFFF  }
0xbf: {  	[dreg:$0x0] =	wrdreg $0xFFFFFFFF;
	(pc) =	sbr.abs _section_cstart, $3  }
0xc0: {  	[dreg:$0x1] =	wrdreg $0xFFFFFFFF  }
0xc1: {  	_ =	task.clear_ibuf [dreg:s7], $0x2FFFF;
	_ =	strace $0x9FFFFFFF  }
0xc2: {  	(tm) =	ssettm $0x7FFFFFFF  }
0xc3: {  	_ =	shalt  }
tec
execute0_lowered:
.L_overlay_start_1:
0x0: {  	(tag) =	ssettag $0x1  }
0x1: {  	v0 =	vlaneseq.u32;
	v1 =	vimm.s32 $0x76543210;
	v2 =	vimm.s32 $0xFEDCBA98  }
0x2: {  	s6 =	rddreg [dreg:$0x0];
	v3 =	vimm.s32 $0xBA98FEDC;
	v4 =	vimm.s32 $0x32107654;
	v5 =	vimm.s32 $0xDCFE98BA  }
0x3: {  	s7 =	rddreg [dreg:$0x1];
	s2 =	srdreg.scid;
	v6 =	vimm.s32 $0x54761032;
	v7 =	vimm.s32 $0xEFCDAB89;
	v8 =	vimm.s32 $0x67452301  }
0x4: {  	s0 =	rddreg [dreg:$0x2];
	s1 =	stileid.u32;
	v1 =	vunpack.c.l.s4.s8 v1;
	v2 =	vunpack.c.l.s4.s8 v2;
	v3 =	vunpack.c.l.s4.s8 v3  }
0x5: {  	s12 =	simm.s32 $0x1;
	s13 =	simm.s32 $0x2;
	s14 =	simm.s32 $0x3;
	v4 =	vunpack.c.l.s4.s8 v4;
	v5 =	vunpack.c.l.s4.s8 v5;
	v6 =	vunpack.c.l.s4.s8 v6  }
0x6: {  	s15 =	simm.s32 $0x0;
	s4 =	sand.u32 $0x1, s2;
	s2 =	simm.s32 $0x0;
	v7 =	vunpack.c.l.s4.s8 v7;
	v8 =	vunpack.c.l.s4.s8 v8;
	v3 =	vunpack.c.0.s8.s32 v3  }
0x7: {  	s3 =	sshll.u32 s1, $0x6;
	s5 =	sshll.u32 s4, $0x5;
	[smem:$0x7FF] =	sst s2;
	v4 =	vunpack.c.0.s8.s32 v4;
	v5 =	vunpack.c.0.s8.s32 v5;
	v6 =	vunpack.c.0.s8.s32 v6  }
0x8: {  	s8 =	ssub.s32 $0x2, s4;
	s4 =	sadd.s32 $0xDC8400, s6;
	s3 =	sor.u32 s5, s3;
	v9 =	vunpack.c.0.s8.s32 v2;
	v7 =	vunpack.c.0.s8.s32 v7;
	v8 =	vunpack.c.0.s8.s32 v8  }
0x9: {  	vm0 =	vmmov $0xffff;
	_ =	strace $0x8000004A;
	s10 =	sshrl.u32 s8, $0x1;
	v10 =	vunpack.c.0.s8.s32 v1;
	s9 =	sshrl.u32 s3, $0x3;
	v1 =	vcombine.low v4, v3  }
0xa: {  	s5 =	sadd.s32 $0xE8C600, s6;
	s10 =	ssub.s32 s8, s10;
	s11 =	smul.u32 $0x1880, s9;
	v2 =	vcombine.low v6, v5;
	v5 =	vand.u32 $0xF, v9;
	v4 =	vcombine.low v8, v7  }
0xb: {  	s6 =	sadd.s32 $0x400, s6;
	s7 =	sadd.s32 s7, s9;
	s9 =	smax.u32 s10, $0x1;
	v3 =	vimm.f32 $3.000000010e+38;
	v9 =	vmul.u32 $0x80, v0;
	v5 =	vcombine.low v5, v10  }
0xc: {  	s10 =	simm.s32 $0x3100;
	s8 =	sadd.s32 s4, s11;
	s11 =	simm.s32 $0x4;
	v6 =	vand.u32 $0xF, v1;
	v7 =	vand.u32 $0xF, v2;
	v8 =	vand.u32 $0xF, v4  }
.LBB2_1:
0xd: {  	[tilespmem:s10], [sflag:$0x4] =	stream.linear.gather [hbm4b:s7+s2], $0x20, $0x38;
	[tilespmem:$0x8280] =	vst v63  }
0xe: {  	_ =	swait.ge [sflag:s11], $0x20  }
0xf: {  	[sflag:s11] =	ssyncset.done $0x0  }
0x10: {  	s16 =	simm.s32 $0x0;
	s18 =	simm.s32 $0x0;
	[sflag:s11] =	ssyncadd.s32 $0xFFFFFFE0  }
.LBB2_2:
0x11: {  	p0 =	sne.s32 s18, $0x1800  }
.Ltmp0:
0x12: {  	_ = 	snop;
	(pc) =	sbr.rel @p0 .LBB2_2-.Ltmp0, $4  }
0x13: {  	_ = 	snop  }
0x14: {  	s19 =	sadd.s32 s18, s8;
	s17 =	simm.s32 $0x0  }
0x15: {  	[tilespmem:s16], [sflag:$0x1] =	stream.linear.gather [hbm4b:s19+s17], $0x80, $0x38;
	[tilespmem:$0x8280] =	vst v63  }
0x16: {  	s18 =	sadd.s32 $0x80, s18;
	s16 =	sadd.s32 $0x100, s16  }
0x17: {  	p0 =	por $0x0, $0x0  }
.LBB2_4:
0x18: {  	p1 =	seq.s32 s17, $0x1F  }
.Ltmp1:
0x19: {  	_ = 	snop;
	(pc) =	sbr.rel @p1 .LBB2_8-.Ltmp1, $4  }
0x1a: {  	_ = 	snop  }
0x1b: {  	_ =	swait.ge [sflag:s12], $0x1880  }
0x1c: {  	s19 =	sand.u32 $0x1, s17;
	[sflag:s12] =	ssyncset.done $0x0  }
0x1d: {  	s16 =	sor.u32 s3, s17;
	s20 =	sshll.u32 s19, $0x7;
	[sflag:s12] =	ssyncadd.s32 $0xFFFFE780  }
0x1e: {  	s18 =	sadd.s32 $0x1, s16  }
0x1f: {  	s21 =	sshrl.u32 s18, $0x3  }
0x20: {  	s18 =	sshll.u32 s18, $0x7;
	s21 =	smul.u32 $0xC400, s21  }
0x21: {  	s18 =	sand.u32 $0x380, s18  }
0x22: {  	s18 =	sor.u32 s18, s21  }
0x23: {  	s21 =	sshrl.u32 s18, $0x3  }
0x24: {  	s18 =	sxor.u32 $0x80, s20;
	s21 =	sadd.s32 s4, s21  }
0x25: {  	s22 =	simm.s32 $0x80;
	s23 =	sadd.s32 $0x100, s18;
	s24 =	sadd.s32 $0x0, s21  }
.LBB2_6:
0x26: {  	[tilespmem:s18], [sflag:$0x1] =	stream.linear.gather [hbm4b:s24+s2], $0x80, $0x38;
	[tilespmem:$0x8280] =	vst v63  }
0x27: {  	s24 =	smov.u32 s22;
	s18 =	smov.u32 s23;
	p1 =	sne.s32 s22, $0x1800  }
.Ltmp2:
0x28: {  	s22 =	sadd.s32 $0x80, s22;
	(pc) =	sbr.rel @p1 .LBB2_6-.Ltmp2, $2  }
0x29: {  	_ =	sdelay $0x2  }
0x2a: {  	s23 =	sadd.s32 $0x100, s23;
	s24 =	sadd.s32 s24, s21  }
0x2b: {  	[tilespmem:s18], [sflag:$0x1] =	stream.linear.gather [hbm4b:s24+s2], $0x80, $0x38;
	[tilespmem:$0x8280] =	vst v63  }
.LBB2_8:
0x2c: {  	s18 =	sand.u32 $0x10, s17  }
0x2d: {  	v10 =	vld [tilespmem:s18+$0x3100];
	_ =	sdelay $0x3  }
0x2e: {  	v11 =	vadd.s32 s17, v0  }
0x2f: {  	v10 =	vperm.xlane v10, v11;
	_ =	sdelay $0x1  }
0x30: {  	(v2sf) =	vpush v10, $0x0;
	_ =	sdelay $0xd  }
0x31: {  	p1 =	slt.u32 s17, $0x2  }
0x32: {  	s18 =	simm.s32 @!p1 $0x3;
	s21 =	spop (v2sf)  }
0x33: {  	_ =	swait.ge @!p1 [sflag:s18], $0x1200  }
0x34: {  	[sflag:s18] =	ssyncset.done @!p1 $0x0  }
0x35: {  	[sflag:s18] =	ssyncadd.s32 @!p1 $0xFFFFEE00  }
0x36: {  	[tilespmem:$0x4580] =	vst v3  }
0x37: {  	[tilespmem:$0x4590] =	vst v3  }
0x38: {  	[tilespmem:$0x45A0] =	vst v3  }
0x39: {  	[tilespmem:$0x45B0] =	vst v3  }
0x3a: {  	s18 =	simm.s32 $0x1;
	[tilespmem:$0x45C0] =	vst v3  }
.Ltmp3:
0x3b: {  	s18 =	simm.s32 @!p0 $0x0;
	[tilespmem:$0x45D0] =	vst v3;
	(pc) =	sbr.rel .LBB2_9-.Ltmp3, $4  }
0x3c: {  	[tilespmem:$0x45E0] =	vst v3;
	s18 =	smul.u32 $0x5000, s18  }
0x3d: {  	[tilespmem:$0x45F0] =	vst v3  }
0x3e: {  	s17 =	sadd.s32 $0x1, s17;
	s22 =	simm.s32 $0x30;
	[tilespmem:$0x4600] =	vst v3;
	s18 =	sshrl.u32 s18, $0x2  }
0x3f: {  	s23 =	simm.s32 $0x0;
	s24 =	simm.s32 $0x0;
	[tilespmem:$0x4610] =	vst v3;
	s18 =	sadd.s32 $0x5A80, s18  }
.LBB2_11:
0x40: {  	s22 =	sadd.s32 $0x40, s22  }
0x41: {  	p1 =	seq.s32 s22, $0x18B0  }
.Ltmp4:
0x42: {  	_ = 	snop;
	(pc) =	sbr.rel @p1 .LBB2_12-.Ltmp4, $2  }
0x43: {  	_ =	sdelay $0x2  }
0x44: {  	s24 =	sadd.s32 $0x80, s24  }
.LBB2_9:
0x45: {  	s29 =	sadd.s32 $0xFFFFFFD0, s22;
	s25 =	sand.u32 $0x3F00, s24  }
0x46: {  	s28 =	sadd.s32 $0xFFFFFFE0, s22;
	s26 =	sand.u32 $0x40, s29;
	s30 =	sor.u32 s25, s20  }
0x47: {  	s31 =	sand.u32 $0x50, s28;
	s25 =	sadd.s32 $0xFFFFFFF0, s22;
	s26 =	sadd.s32 s26, s30  }
0x48: {  	v13 =	vld [tilespmem:s26+$0x0];
	s26 =	sadd.s32 s31, s30;
	s31 =	sand.u32 $0x60, s25  }
0x49: {  	v12 =	vld [tilespmem:s26+$0x0];
	s26 =	sadd.s32 s31, s30;
	s31 =	sand.u32 $0x70, s22  }
0x4a: {  	v11 =	vld [tilespmem:s26+$0x0];
	s30 =	sadd.s32 s31, s30  }
0x4b: {  	v10 =	vld [tilespmem:s30+$0x0];
	_ =	sdelay $0x4  }
0x4c: {  	v14 =	vmin.f32 v13, v12;
	v15 =	vmin.f32 v11, v10  }
0x4d: {  	v14 =	vmin.f32 v14, v15  }
0x4e: {  	v15 =	vperm.xlane v14, v5;
	_ =	sdelay $0x1  }
0x4f: {  	v14 =	vmin.f32 v14, v15  }
0x50: {  	v15 =	vperm.xlane v14, v1;
	_ =	sdelay $0x1  }
0x51: {  	v14 =	vmin.f32 v14, v15  }
0x52: {  	v15 =	vperm.xlane v14, v2;
	_ =	sdelay $0x1  }
0x53: {  	v14 =	vmin.f32 v14, v15  }
0x54: {  	v15 =	vperm.xlane v14, v4;
	_ =	sdelay $0x1  }
0x55: {  	v14 =	vmin.f32 v14, v15  }
0x56: {  	(v2sf) =	vpush v14, $0x0;
	_ =	sdelay $0xe  }
0x57: {  	s31 =	spop (v2sf)  }
0x58: {  	p1 =	sle.f32 s31, s21  }
.Ltmp5:
0x59: {  	_ = 	snop;
	(pc) =	sbr.rel @!p1 .LBB2_11-.Ltmp5, $1  }
0x5a: {  	_ =	sdelay $0x3  }
0x5b: {  	v14 =	vperm.xlane v13, v5;
	_ =	sdelay $0x1  }
0x5c: {  	p1 =	slt.s32 s23, $0x9C;
	s26 =	smov.u32 s23;
	v14 =	vmin.f32 v13, v14  }
0x5d: {  	s26 =	simm.s32 @!p1 $0x9C;
	v15 =	vperm.xlane v14, v6  }
0x5e: {  	s30 =	sshll.u32 s26, $0x4  }
0x5f: {  	v43 =	vor.u32 s29, v0;
	[tilespmem:s30+$0x3180] =	vst v13;
	v14 =	vmin.f32 v14, v15  }
0x60: {  	s29 =	sand.u32 $0xFFFFFFF0, s26;
	[tilespmem:s30+$0x3B80] =	vst v43;
	v44 =	vperm.xlane v14, v7  }
0x61: {  	v45 =	vld [tilespmem:s29+$0x4580]  }
0x62: {  	v13 =	vmin.f32 v14, v44  }
0x63: {  	v16 =	vperm.xlane v12, v5;
	s31 =	sand.u32 $0xF, s26;
	v14 =	vperm.xlane v13, v8  }
0x64: {  	v17 =	vmov s31  }
0x65: {  	v46 =	vmin.f32 v12, v16;
	vm1 =	veq.s32 v17, v0;
	v13 =	vmin.f32 v13, v14  }
0x66: {  	v47 =	vperm.xlane v46, v6;
	v13 =	vsel vm1, v13, v45  }
0x67: {  	[tilespmem:s29+$0x4580] =	vst v13  }
0x68: {  	v48 =	vor.u32 s28, v0;
	s28 =	sadd.s32 $0x1, s26;
	v49 =	vmin.f32 v46, v47;
	[tilespmem:s30+$0x3190] =	vst v12  }
0x69: {  	s31 =	sand.u32 $0xFFFFFFF0, s28;
	v50 =	vperm.xlane v49, v7;
	[tilespmem:s30+$0x3B90] =	vst v48  }
0x6a: {  	v51 =	vld [tilespmem:s31+$0x4580]  }
0x6b: {  	v12 =	vmin.f32 v49, v50  }
0x6c: {  	v52 =	vperm.xlane v11, v5;
	s28 =	sand.u32 $0xF, s28;
	v13 =	vperm.xlane v12, v8  }
0x6d: {  	v53 =	vmov s28  }
0x6e: {  	v54 =	vmin.f32 v11, v52;
	vm1 =	veq.s32 v53, v0;
	v12 =	vmin.f32 v12, v13  }
0x6f: {  	v55 =	vperm.xlane v54, v6;
	v12 =	vsel vm1, v12, v51  }
0x70: {  	[tilespmem:s31+$0x4580] =	vst v12  }
0x71: {  	v56 =	vmin.f32 v54, v55;
	s31 =	sadd.s32 $0x2, s26;
	[tilespmem:s30+$0x31A0] =	vst v11;
	v11 =	vor.u32 s25, v0  }
0x72: {  	s29 =	sand.u32 $0xFFFFFFF0, s31;
	[tilespmem:s30+$0x3BA0] =	vst v11;
	v11 =	vperm.xlane v56, v7  }
0x73: {  	v57 =	vld [tilespmem:s29+$0x4580]  }
0x74: {  	v11 =	vmin.f32 v56, v11  }
0x75: {  	v58 =	vperm.xlane v10, v5;
	s25 =	sand.u32 $0xF, s31;
	v12 =	vperm.xlane v11, v8  }
0x76: {  	v59 =	vmov s25  }
0x77: {  	v60 =	vmin.f32 v10, v58;
	vm1 =	veq.s32 v59, v0;
	v11 =	vmin.f32 v11, v12  }
0x78: {  	v61 =	vperm.xlane v60, v6;
	v11 =	vsel vm1, v11, v57  }
0x79: {  	[tilespmem:s29+$0x4580] =	vst v11  }
0x7a: {  	s31 =	sadd.s32 $0x3, s26;
	v11 =	vmin.f32 v60, v61;
	[tilespmem:s30+$0x31B0] =	vst v10;
	v10 =	vor.u32 s22, v0  }
0x7b: {  	s26 =	sand.u32 $0xFFFFFFF0, s31;
	[tilespmem:s30+$0x3BB0] =	vst v10;
	v10 =	vperm.xlane v11, v7  }
0x7c: {  	v62 =	vld [tilespmem:s26+$0x4580]  }
0x7d: {  	v10 =	vmin.f32 v11, v10  }
.Ltmp6:
0x7e: {  	s25 =	sand.u32 $0xF, s31;
	v11 =	vperm.xlane v10, v8;
	(pc) =	sbr.rel .LBB2_11-.Ltmp6, $4  }
0x7f: {  	v63 =	vmov s25  }
0x80: {  	vm1 =	veq.s32 v63, v0;
	v10 =	vmin.f32 v10, v11  }
0x81: {  	v10 =	vsel vm1, v10, v62  }
0x82: {  	s23 =	sadd.s32 $0x4, s23;
	[tilespmem:s26+$0x4580] =	vst v10  }
.LBB2_12:
0x83: {  	s19 =	smul.u32 $0x5000, s19;
	_ =	sdelay $0x1  }
0x84: {  	s20 =	smul.u32 $0x18800, s16;
	s19 =	sshrl.u32 s19, $0x2  }
0x85: {  	s21 =	simm.s32 $0x0;
	s22 =	simm.s32 $0x0;
	s19 =	sadd.s32 $0x5A80, s19  }
.LBB2_13:
0x86: {  	v10 =	vld [tilespmem:$0x4580]  }
0x87: {  	v11 =	vld [tilespmem:$0x4590]  }
0x88: {  	v12 =	vld [tilespmem:$0x45A0]  }
0x89: {  	v13 =	vld [tilespmem:$0x45B0]  }
0x8a: {  	v14 =	vld [tilespmem:$0x45C0]  }
0x8b: {  	v15 =	vld [tilespmem:$0x45D0];
	v10 =	vmin.f32 v10, $3.000000010e+38  }
0x8c: {  	v10 =	vmin.f32 v10, v11;
	v11 =	vld [tilespmem:$0x45E0]  }
0x8d: {  	v10 =	vmin.f32 v10, v12;
	v12 =	vld [tilespmem:$0x45F0]  }
0x8e: {  	v10 =	vmin.f32 v10, v13;
	v13 =	vld [tilespmem:$0x4600]  }
0x8f: {  	v10 =	vmin.f32 v10, v14;
	v14 =	vld [tilespmem:$0x4610]  }
0x90: {  	v10 =	vmin.f32 v10, v15  }
0x91: {  	v10 =	vmin.f32 v10, v11  }
0x92: {  	v10 =	vmin.f32 v10, v12  }
0x93: {  	v10 =	vmin.f32 v10, v13  }
0x94: {  	v10 =	vmin.f32 v10, v14  }
0x95: {  	v11 =	vperm.xlane v10, v5;
	_ =	sdelay $0x1  }
0x96: {  	v10 =	vmin.f32 v10, v11  }
0x97: {  	v11 =	vperm.xlane v10, v1;
	_ =	sdelay $0x1  }
0x98: {  	v10 =	vmin.f32 v10, v11  }
0x99: {  	s23 =	simm.s32 $0x4580;
	v11 =	vperm.xlane v10, v2  }
0x9a: {  	v13 =	vld [tilespmem:s23+$0x0]  }
0x9b: {  	v10 =	vmin.f32 v10, v11  }
0x9c: {  	v11 =	vperm.xlane v10, v4;
	_ =	sdelay $0x1  }
0x9d: {  	v10 =	vmin.f32 v10, v11  }
0x9e: {  	s24 =	simm.s32 $0x4590;
	v12 =	vor.u32 s21, v0;
	s23 =	simm.s32 $0x10;
	v11 =	vimm.s32 $0x270F;
	vm1 =	veq.f32 v13, v10  }
.LBB2_14:
0x9f: {  	v13 =	vld [tilespmem:s24+$0x0];
	p1 =	sne.s32 s23, $0x90;
	v12 =	vnsel vm1, $0x270F, v12;
	s25 =	smov.u32 s23;
	s23 =	sadd.s32 $0x10, s23  }
.Ltmp7:
0xa0: {  	vm1 =	vlt.s32 v11, v12;
	(pc) =	sbr.rel @p1 .LBB2_14-.Ltmp7, $2  }
0xa1: {  	v11 =	vsel vm1, v11, v12;
	_ =	sdelay $0x2  }
0xa2: {  	s24 =	sadd.s32 $0x10, s24;
	v12 =	vor.u32 s25, v0;
	vm1 =	veq.f32 v13, v10  }
0xa3: {  	v12 =	vnsel vm1, $0x270F, v12  }
0xa4: {  	vm1 =	vlt.s32 v11, v12  }
0xa5: {  	v11 =	vsel vm1, v11, v12  }
0xa6: {  	v12 =	vperm.xlane v11, v5;
	_ =	sdelay $0x1  }
0xa7: {  	vm1 =	vlt.s32 v11, v12  }
0xa8: {  	v11 =	vsel vm1, v11, v12  }
0xa9: {  	v12 =	vperm.xlane v11, v6;
	_ =	sdelay $0x1  }
0xaa: {  	vm1 =	vlt.s32 v11, v12  }
0xab: {  	v11 =	vsel vm1, v11, v12  }
0xac: {  	v12 =	vperm.xlane v11, v7;
	_ =	sdelay $0x1  }
0xad: {  	vm1 =	vlt.s32 v11, v12  }
0xae: {  	v11 =	vsel vm1, v11, v12  }
0xaf: {  	v12 =	vperm.xlane v11, v8;
	_ =	sdelay $0x1  }
0xb0: {  	vm1 =	vlt.s32 v11, v12  }
0xb1: {  	v11 =	vsel vm1, v11, v12  }
0xb2: {  	(v2sf) =	vpush v11, $0x0;
	_ =	sdelay $0xe  }
0xb3: {  	s23 =	spop (v2sf)  }
0xb4: {  	p1 =	slt.s32 s23, $0x9F  }
0xb5: {  	s23 =	simm.s32 @!p1 $0x9F  }
0xb6: {  	s24 =	sshll.u32 s23, $0x4  }
0xb7: {  	v11 =	vld [tilespmem:s24+$0x3180];
	_ =	sdelay $0x4  }
0xb8: {  	vm1 =	veq.f32 v11, v10  }
0xb9: {  	v58 =	vnsel vm1, $0x10, v0  }
0xba: {  	v13 =	vperm.xlane v58, v5;
	_ =	sdelay $0x1  }
0xbb: {  	vm1 =	vlt.s32 v58, v13  }
0xbc: {  	v12 =	vsel vm1, v58, v13  }
0xbd: {  	v13 =	vperm.xlane v12, v6;
	_ =	sdelay $0x1  }
0xbe: {  	vm1 =	vlt.s32 v12, v13  }
0xbf: {  	v12 =	vsel vm1, v12, v13  }
0xc0: {  	v13 =	vperm.xlane v12, v7;
	_ =	sdelay $0x1  }
0xc1: {  	vm1 =	vlt.s32 v12, v13  }
0xc2: {  	v59 =	vld [tilespmem:s24+$0x3B80];
	v12 =	vsel vm1, v12, v13  }
0xc3: {  	v14 =	vperm.xlane v12, v8;
	_ =	sdelay $0x1  }
0xc4: {  	vm1 =	vlt.s32 v12, v14  }
0xc5: {  	v12 =	vsel vm1, v12, v14  }
0xc6: {  	v13 =	vperm.xlane v59, v12;
	_ =	sdelay $0x1  }
0xc7: {  	(v2sf) =	vpush v13, $0x0;
	_ =	sdelay $0xa  }
0xc8: {  	vm1 =	veq.s32 v12, v0  }
0xc9: {  	v11 =	vsel vm1, $0x7F61B1E6, v11  }
0xca: {  	v60 =	vperm.xlane v11, v5;
	_ =	sdelay $0x1  }
0xcb: {  	v12 =	vmin.f32 v11, v60;
	s25 =	spop (v2sf)  }
0xcc: {  	v61 =	vperm.xlane v12, v6;
	p1 =	sgt.s32 s25, $0x0  }
0xcd: {  	s25 =	simm.s32 @!p1 $0x0  }
0xce: {  	v12 =	vmin.f32 v12, v61;
	s25 =	smin.u32 s25, $0x187F  }
0xcf: {  	s30 =	sand.u32 $0xFFFFFFF0, s23;
	[tilespmem:s24+$0x3180] =	vst v11;
	v11 =	vperm.xlane v12, v7;
	s26 =	sshll.u32 s25, $0x4  }
0xd0: {  	v62 =	vld [tilespmem:s30+$0x4580];
	s26 =	sand.u32 $0x1F800, s26  }
0xd1: {  	s31 =	sshll.u32 s22, $0x7;
	v11 =	vmin.f32 v12, v11;
	s25 =	sand.u32 $0x7F, s25;
	s26 =	sadd.s32 s20, s26  }
0xd2: {  	s22 =	sadd.s32 $0x1, s22;
	s23 =	sand.u32 $0xF, s23;
	v12 =	vperm.xlane v11, v8;
	s25 =	sor.u32 s25, s26  }
0xd3: {  	v63 =	vmov s23;
	p1 =	sne.s32 s22, $0x24;
	v15 =	vor.u32 s25, v9  }
.Ltmp8:
0xd4: {  	vm1 =	veq.s32 v63, v0;
	v11 =	vmin.f32 v11, v12;
	(pc) =	sbr.rel @p1 .LBB2_13-.Ltmp8, $4  }
0xd5: {  	v11 =	vsel vm1, v11, v62  }
0xd6: {  	[tilespmem:s30+$0x4580] =	vst v11  }
0xd7: {  	s23 =	sadd.s32 s31, s19;
	[tilespmem:s31+$0x4680] =	vst v10  }
0xd8: {  	[tilespmem:s23], [sflag:$0x2] =	stream.indirect_vreg.gather [hbm4b:s5+s2], $0x1, v15, vm0, $0xb8;
	[tilespmem:$0x8280] =	vst v63  }
0xd9: {  	_ =	swait.ge [sflag:s13], $0x10  }
0xda: {  	[sflag:s13] =	ssyncset.done $0x0  }
0xdb: {  	[sflag:s13] =	ssyncadd.s32 $0xFFFFFFF0  }
0xdc: {  	_ =	swait.ge [sflag:s13], $0x10  }
0xdd: {  	[sflag:s13] =	ssyncset.done $0x0  }
0xde: {  	[sflag:s13] =	ssyncadd.s32 $0xFFFFFFF0  }
0xdf: {  	_ =	swait.ge [sflag:s13], $0x10  }
0xe0: {  	[sflag:s13] =	ssyncset.done $0x0  }
0xe1: {  	[sflag:s13] =	ssyncadd.s32 $0xFFFFFFF0  }
0xe2: {  	_ =	swait.ge [sflag:s13], $0x10  }
0xe3: {  	[sflag:s13] =	ssyncset.done $0x0  }
0xe4: {  	[sflag:s13] =	ssyncadd.s32 $0xFFFFFFF0  }
0xe5: {  	_ =	swait.ge [sflag:s13], $0x10  }
0xe6: {  	[sflag:s13] =	ssyncset.done $0x0  }
0xe7: {  	[sflag:s13] =	ssyncadd.s32 $0xFFFFFFF0  }
0xe8: {  	_ =	swait.ge [sflag:s13], $0x10  }
0xe9: {  	[sflag:s13] =	ssyncset.done $0x0  }
0xea: {  	[sflag:s13] =	ssyncadd.s32 $0xFFFFFFF0  }
0xeb: {  	_ =	swait.ge [sflag:s13], $0x10  }
0xec: {  	[sflag:s13] =	ssyncset.done $0x0  }
0xed: {  	[sflag:s13] =	ssyncadd.s32 $0xFFFFFFF0  }
0xee: {  	_ =	swait.ge [sflag:s13], $0x10  }
0xef: {  	[sflag:s13] =	ssyncset.done $0x0  }
0xf0: {  	[sflag:s13] =	ssyncadd.s32 $0xFFFFFFF0  }
0xf1: {  	_ =	swait.ge [sflag:s13], $0x10  }
0xf2: {  	[sflag:s13] =	ssyncset.done $0x0  }
0xf3: {  	[sflag:s13] =	ssyncadd.s32 $0xFFFFFFF0  }
0xf4: {  	_ =	swait.ge [sflag:s13], $0x10  }
0xf5: {  	[sflag:s13] =	ssyncset.done $0x0  }
0xf6: {  	[sflag:s13] =	ssyncadd.s32 $0xFFFFFFF0  }
0xf7: {  	_ =	swait.ge [sflag:s13], $0x10  }
0xf8: {  	[sflag:s13] =	ssyncset.done $0x0  }
0xf9: {  	[sflag:s13] =	ssyncadd.s32 $0xFFFFFFF0  }
0xfa: {  	_ =	swait.ge [sflag:s13], $0x10  }
0xfb: {  	[sflag:s13] =	ssyncset.done $0x0  }
0xfc: {  	[sflag:s13] =	ssyncadd.s32 $0xFFFFFFF0  }
0xfd: {  	_ =	swait.ge [sflag:s13], $0x10  }
0xfe: {  	[sflag:s13] =	ssyncset.done $0x0  }
0xff: {  	[sflag:s13] =	ssyncadd.s32 $0xFFFFFFF0  }
0x100: {  	_ =	swait.ge [sflag:s13], $0x10  }
0x101: {  	[sflag:s13] =	ssyncset.done $0x0  }
0x102: {  	[sflag:s13] =	ssyncadd.s32 $0xFFFFFFF0  }
0x103: {  	_ =	swait.ge [sflag:s13], $0x10  }
0x104: {  	[sflag:s13] =	ssyncset.done $0x0  }
0x105: {  	[sflag:s13] =	ssyncadd.s32 $0xFFFFFFF0  }
0x106: {  	_ =	swait.ge [sflag:s13], $0x10  }
0x107: {  	[sflag:s13] =	ssyncset.done $0x0  }
0x108: {  	[sflag:s13] =	ssyncadd.s32 $0xFFFFFFF0  }
0x109: {  	_ =	swait.ge [sflag:s13], $0x10  }
0x10a: {  	[sflag:s13] =	ssyncset.done $0x0  }
0x10b: {  	[sflag:s13] =	ssyncadd.s32 $0xFFFFFFF0  }
0x10c: {  	_ =	swait.ge [sflag:s13], $0x10  }
0x10d: {  	[sflag:s13] =	ssyncset.done $0x0  }
0x10e: {  	[sflag:s13] =	ssyncadd.s32 $0xFFFFFFF0  }
0x10f: {  	_ =	swait.ge [sflag:s13], $0x10  }
0x110: {  	[sflag:s13] =	ssyncset.done $0x0  }
0x111: {  	[sflag:s13] =	ssyncadd.s32 $0xFFFFFFF0  }
0x112: {  	_ =	swait.ge [sflag:s13], $0x10  }
0x113: {  	[sflag:s13] =	ssyncset.done $0x0  }
0x114: {  	[sflag:s13] =	ssyncadd.s32 $0xFFFFFFF0  }
0x115: {  	_ =	swait.ge [sflag:s13], $0x10  }
0x116: {  	[sflag:s13] =	ssyncset.done $0x0  }
0x117: {  	[sflag:s13] =	ssyncadd.s32 $0xFFFFFFF0  }
0x118: {  	_ =	swait.ge [sflag:s13], $0x10  }
0x119: {  	[sflag:s13] =	ssyncset.done $0x0  }
0x11a: {  	[sflag:s13] =	ssyncadd.s32 $0xFFFFFFF0  }
0x11b: {  	_ =	swait.ge [sflag:s13], $0x10  }
0x11c: {  	[sflag:s13] =	ssyncset.done $0x0  }
0x11d: {  	[sflag:s13] =	ssyncadd.s32 $0xFFFFFFF0  }
0x11e: {  	_ =	swait.ge [sflag:s13], $0x10  }
0x11f: {  	[sflag:s13] =	ssyncset.done $0x0  }
0x120: {  	[sflag:s13] =	ssyncadd.s32 $0xFFFFFFF0  }
0x121: {  	_ =	swait.ge [sflag:s13], $0x10  }
0x122: {  	[sflag:s13] =	ssyncset.done $0x0  }
0x123: {  	[sflag:s13] =	ssyncadd.s32 $0xFFFFFFF0  }
0x124: {  	_ =	swait.ge [sflag:s13], $0x10  }
0x125: {  	[sflag:s13] =	ssyncset.done $0x0  }
0x126: {  	[sflag:s13] =	ssyncadd.s32 $0xFFFFFFF0  }
0x127: {  	_ =	swait.ge [sflag:s13], $0x10  }
0x128: {  	[sflag:s13] =	ssyncset.done $0x0  }
0x129: {  	[sflag:s13] =	ssyncadd.s32 $0xFFFFFFF0  }
0x12a: {  	_ =	swait.ge [sflag:s13], $0x10  }
0x12b: {  	[sflag:s13] =	ssyncset.done $0x0  }
0x12c: {  	[sflag:s13] =	ssyncadd.s32 $0xFFFFFFF0  }
0x12d: {  	_ =	swait.ge [sflag:s13], $0x10  }
0x12e: {  	[sflag:s13] =	ssyncset.done $0x0  }
0x12f: {  	[sflag:s13] =	ssyncadd.s32 $0xFFFFFFF0  }
0x130: {  	_ =	swait.ge [sflag:s13], $0x10  }
0x131: {  	[sflag:s13] =	ssyncset.done $0x0  }
0x132: {  	[sflag:s13] =	ssyncadd.s32 $0xFFFFFFF0  }
0x133: {  	_ =	swait.ge [sflag:s13], $0x10  }
0x134: {  	[sflag:s13] =	ssyncset.done $0x0  }
0x135: {  	[sflag:s13] =	ssyncadd.s32 $0xFFFFFFF0  }
0x136: {  	_ =	swait.ge [sflag:s13], $0x10  }
0x137: {  	[sflag:s13] =	ssyncset.done $0x0  }
0x138: {  	[sflag:s13] =	ssyncadd.s32 $0xFFFFFFF0  }
0x139: {  	_ =	swait.ge [sflag:s13], $0x10  }
0x13a: {  	[sflag:s13] =	ssyncset.done $0x0  }
0x13b: {  	[sflag:s13] =	ssyncadd.s32 $0xFFFFFFF0  }
0x13c: {  	_ =	swait.ge [sflag:s13], $0x10  }
0x13d: {  	[sflag:s13] =	ssyncset.done $0x0  }
0x13e: {  	[sflag:s13] =	ssyncadd.s32 $0xFFFFFFF0  }
0x13f: {  	_ =	swait.ge [sflag:s13], $0x10  }
0x140: {  	v10 =	vmov s18;
	[sflag:s13] =	ssyncset.done $0x0  }
0x141: {  	[sflag:s13] =	ssyncadd.s32 $0xFFFFFFF0  }
0x142: {  	_ =	swait.ge [sflag:s13], $0x10  }
0x143: {  	[sflag:s13] =	ssyncset.done $0x0  }
0x144: {  	s18 =	simm.s32 $0x0;
	[sflag:s13] =	ssyncadd.s32 $0xFFFFFFF0  }
0x145: {  	s20 =	simm.s32 $0x200;
	v11 =	vld.idx.msk [tilespmem:v10+s18+$0x0 ss:$0x1], $0xffff  }
.LBB2_17:
0x146: {  	p1 =	sne.s32 s20, $0x4600;
	v12 =	vld [tilespmem:s18+$0x4680];
	_ =	sdelay $0x3  }
.Ltmp9:
0x147: {  	(pc) =	sbr.rel @p1 .LBB2_17-.Ltmp9, $4  }
0x148: {  	vm1 =	vlt.f32 v12, $9.999999930e+36  }
0x149: {  	v11 =	vnsel vm1, $0x7F61B1E6, v11  }
0x14a: {  	[tilespmem:v10+s18+$0x0 ss:$0x1] =	vst.idx.msk $0xffff, v11;
	s18 =	sshra.s32 s20, $0x2  }
0x14b: {  	s20 =	sadd.s32 $0x200, s20;
	v11 =	vld.idx.msk [tilespmem:v10+s18+$0x0 ss:$0x1], $0xffff  }
0x14c: {  	v12 =	vld [tilespmem:s18+$0x4680];
	_ =	sdelay $0x2  }
0x14d: {  	p1 =	sne.s32 s17, $0x20  }
.Ltmp10:
0x14e: {  	_ = 	snop;
	(pc) =	sbr.rel @p1 .LBB2_4-.Ltmp10, $4  }
0x14f: {  	s16 =	smul.u32 $0x280, s16;
	vm1 =	vlt.f32 v12, $9.999999930e+36  }
0x150: {  	v11 =	vnsel vm1, $0x7F61B1E6, v11  }
0x151: {  	p0 =	por !p0, !p0;
	s16 =	sadd.s32 s6, s16;
	[tilespmem:v10+s18+$0x0 ss:$0x1] =	vst.idx.msk $0xffff, v11  }
0x152: {  	[hbm4b:s16+s2] =	stream.linear.scatter [tilespmem:s19], [sflag:$0x3], $0x1200, $0x38;
	[tilespmem:$0x8280] =	vst v63  }
0x153: {  	s15 =	sadd.s32 $0x1, s15  }
0x154: {  	_ =	swait.ge [sflag:s14], $0x1200;
	p0 =	sne.s32 s15, s9  }
.Ltmp11:
0x155: {  	[sflag:s14] =	ssyncset.done $0x0;
	(pc) =	sbr.rel @p0 .LBB2_1-.Ltmp11, $4  }
0x156: {  	[sflag:s14] =	ssyncadd.s32 $0xFFFFEE00  }
0x157: {  	_ =	swait.ge [sflag:s14], $0x1200  }
0x158: {  	[sflag:s14] =	ssyncset.done $0x0  }
0x159: {  	[sflag:s14] =	ssyncadd.s32 $0xFFFFEE00  }
0x15a: {  	_ =	sfence.sel $0x180000  }
0x15b: {  	[bflag:$0x0] =	sbarrier.arrive $0xFFFF  }
0x15c: {  	p0 =	sne.s32 s1, $0x0;
	_ =	strace $0x9000004A  }
0x15d: {  	s0 =	sadd.s32 @!p0 $0x100000, s0;
	[bflag:$0x2] =	sbarrier.arrive $0xFFFF  }
0x15e: {  	[sflag:s0] =	ssyncadd.tile.s32 @!p0 $0x1;
	_ =	shalt  }
.Lfunc_end2:
_tile_overlayer_lowered:
.L_overlay_start_2:
0x15f: {  	(tag) =	ssettag $0x2  }
0x160: {  	s0 =	rddreg [dreg:$0x0];
	s2 =	stileid.u32  }
0x161: {  	s1 =	rddreg [dreg:$0x1];
	p0 =	sne.s32 s2, $0x0  }
0x162: {  	s3 =	rddreg [dreg:$0x2];
	[bflag:$0x3] =	sbarrier.arrive $0xFFFF;
	s2 =	simm.s32 @!p0 $0x1C04  }
0x163: {  	[timem:s3], [sflag:s2] =	dma.local @!p0 [hbm:s0], s1  }
0x164: {  	s0 =	simm.s32 @!p0 $0x4  }
0x165: {  	_ =	swait.ge @!p0 [sflag:s0], s1  }
0x166: {  	s1 =	ssub.s32 @!p0 $0x0, s1;
	[sflag:s0] =	ssyncset.done @!p0 $0x0  }
0x167: {  	[sflag:s0] =	ssyncadd.s32 @!p0 s1  }
0x168: {  	[bflag:$0x3] =	sbarrier.arrive $0xFFFF  }
0x169: {  	_ =	shalt  }

// kernel: sparse-core-data-format-call.cloned.1.call-start
scs
called_computation_lowered:
.L_overlay_start_0:
0x0: {  	s1 =	sld [smem:$0x3FD9]  }
0x1: {  	s2 =	sld [smem:$0x3FFE];
	_ =	sdelay $0x1  }
0x2: {  	s3 =	srdreg.scid  }
0x3: {  	s0 =	sand.u32 $0x1, s3  }
0x4: {  	s17 =	sshll.u32 s0, $0xA;
	s1 =	sadd.s32 s2, s1  }
0x5: {  	s1 =	sadd.s32 s1, s17  }
0x6: {  	[smem:$0x3FC6] =	sst s1  }
0x7: {  	_ = 	snop  }
0x8: {  	(tm) =	ssettm $0x1  }
0x9: {  	s18 =	sld [smem:$0x3FFB];
	_ =	sdelay $0x3  }
0xa: {  	_ =	strace s18  }
0xb: {  	s1 =	sld [smem:$0x3FFC];
	_ =	sdelay $0x3  }
0xc: {  	_ =	strace s1  }
0xd: {  	s1 =	sld [smem:$0x3FFD];
	_ =	sdelay $0x3  }
0xe: {  	_ =	strace s1  }
0xf: {  	_ =	strace $0x8FFFFFFF  }
0x10: {  	s19 =	sld [smem:$0x3FDB];
	_ =	sdelay $0x1  }
0x11: {  	s20 =	simm.s32 $_scs_section_size  }
0x12: {  	s4 =	simm.s32 $_size__tile_overlayer_lowered;
	s5 =	simm.s32 $_tile_overlayer_lowered  }
0x13: {  	s23 =	simm.s32 $0x1BFF;
	s22 =	sshll.u32 s5, $0x1;
	s1 =	sadd.s32 s20, s19  }
0x14: {  	s6 =	simm.s32 $0x0;
	s21 =	sshll.u32 s4, $0x1;
	s4 =	sadd.s32 s22, s1  }
0x15: {  	[timem:s6], [sflag:s23] =	dma.local [hbm:s4], s21  }
0x16: {  	_ =	swait.ge [sflag:s23], s21  }
0x17: {  	s2 =	ssub.s32 $0x0, s21;
	[sflag:s23] =	ssyncset.done $0x0  }
0x18: {  	[sflag:s23] =	ssyncadd.s32 s2;
	_ =	sdelay $0x1  }
0x19: {  	s24 =	simm.s32 $0x1B8B  }
0x1a: {  	_ =	swait.ge [sflag:s24], $0x1  }
0x1b: {  	[sflag:s24] =	ssyncset.done $0x0  }
0x1c: {  	s26 =	simm.s32 $0x1B8E;
	s25 =	sld [smem:$0x3FFE];
	[sflag:s24] =	ssyncadd.s32 $0xFFFFFFFF  }
0x1d: {  	s27 =	simm.s32 $execute0_lowered;
	[smem:$0x3FD2] =	sst s26  }
0x1e: {  	s4 =	sshll.u32 s27, $0x1;
	_ =	strace $0x80000046;
	[dreg:$0x1] =	wrdreg $0xFFFFFFFF  }
0x1f: {  	s28 =	simm.s32 $_size_execute0_lowered;
	s1 =	sadd.s32 s1, s4;
	[dreg:$0x0] =	wrdreg $0x0  }
0x20: {  	s4 =	sshll.u32 s28, $0x1;
	[dreg:$0x2] =	wrdreg s1  }
0x21: {  	[dreg:$0x3] =	wrdreg s4  }
0x22: {  	[dreg:$0x4] =	wrdreg $0xC0  }
0x23: {  	_ =	task [dreg:s6], $0x5FFFF  }
0x24: {  	[dreg:$0x1] =	wrdreg $0xFFFFFFFF  }
0x25: {  	[dreg:$0x0] =	wrdreg $0x60  }
0x26: {  	[dreg:$0x2] =	wrdreg s25  }
0x27: {  	[dreg:$0x3] =	wrdreg $0x9  }
0x28: {  	_ =	task.clear_ibuf [dreg:s6], $0x4FFFF;
	_ =	strace $0x90000046  }
0x29: {  	s29 =	simm.s32 $0x9;
	_ =	strace $0x80000048  }
0x2a: {  	_ =	swait.ge [sflag:s29], $0x1  }
0x2b: {  	[sflag:s29] =	ssyncadd.s32 $0xFFFFFFFF  }
0x2c: {  	_ =	strace $0x90000048  }
0x2d: {  	_ =	sfence  }
0x2e: {  	s30 =	sld [smem:$0x0];
	_ =	sdelay $0x2  }
0x2f: {  	s31 =	sshll.u32 s3, $0xD;
	s3 =	sshrl.u32 s3, $0x2  }
0x30: {  	s2 =	sand.u32 $0x4000, s31;
	s1 =	sadd.s32 s3, s30  }
0x31: {  	s0 =	sor.u32 s2, s0;
	s1 =	sshll.u32 s1, $0x11  }
0x32: {  	s0 =	sor.u32 s1, s0  }
0x33: {  	s0 =	sadd.s32 $0x8F2B, s0  }
0x34: {  	[sflag:s0] =	ssyncadd.remote.s32 $0x1  }
0x35: {  	_ =	sfence.sel $0xFFFF  }
0x36: {  	[dreg:$0x0] =	wrdreg $0xFFFFFFFF;
	(pc) =	sbr.abs _section_cstart, $3  }
0x37: {  	[dreg:$0x1] =	wrdreg $0xFFFFFFFF  }
0x38: {  	_ =	task.clear_ibuf [dreg:s6], $0x2FFFF;
	_ =	strace $0x9FFFFFFF  }
0x39: {  	(tm) =	ssettm $0x7FFFFFFF  }
tec
execute0_lowered:
.L_overlay_start_1:
0x0: {  	(tag) =	ssettag $0x1  }
0x1: {  	s1 =	rddreg [dreg:$0x0]  }
0x2: {  	s0 =	rddreg [dreg:$0x1]  }
0x3: {  	_ =	strace $0x80000047;
	s4 =	srdreg.scid;
	s6 =	simm.s32 $0x2  }
0x4: {  	s11 =	simm.s32 $0x0;
	p0 =	por $0x0, $0x0;
	s7 =	simm.s32 $0x18800  }
.Ltmp0:
0x5: {  	s12 =	simm.s32 $0x0;
	s9 =	simm.s32 $0x0;
	(pc) =	sbr.rel .LBB1_1-.Ltmp0, $4  }
0x6: {  	s2 =	sadd.s32 $0x188400, s1;
	s3 =	sadd.s32 $0xE8C600, s1;
	s5 =	sshll.u32 s4, $0x4  }
0x7: {  	s1 =	stileid.u32;
	s4 =	simm.s32 $0x1;
	s5 =	sand.u32 $0x10, s5  }
0x8: {  	s8 =	simm.s32 $0x0;
	[sflag:s4] =	ssyncpa.u1 $0x0;
	s5 =	sor.u32 s1, s5  }
0x9: {  	[sflag:s6] =	ssyncpa.u1 $0x0;
	s6 =	simm.s32 $0x800;
	s10 =	smov.u32 s5  }
.LBB1_7:
0xa: {  	s13 =	sadd.s32 $0x10, s9  }
0xb: {  	s11 =	sadd.s32 $0x20, s10;
	s15 =	smov.u32 s10;
	p2 =	sgt.s32 s13, $0x30F  }
0xc: {  	p1 =	slt.u32 s8, $0x2;
	s15 =	smov.u32 @p2 s11  }
0xd: {  	s8 =	sadd.s32 $0x1, s8;
	s13 =	simm.s32 @p2 $0x0;
	p2 =	sgt.s32 s15, $0x7F  }
0xe: {  	s15 =	smov.u32 @p2 s5;
	p2 =	sne.s32 s8, $0xC6  }
.Ltmp1:
0xf: {  	_ = 	snop;
	(pc) =	sbr.rel @!p2 .LBB1_8-.Ltmp1, $4  }
0x10: {  	s14 =	simm.s32 @!p1 $0x2  }
0x11: {  	s12 =	smov.u32 s10;
	_ =	swait.ge @!p1 [sflag:s14], $0x4000  }
0x12: {  	p0 =	por !p0, !p0;
	s11 =	smov.u32 s9;
	[sflag:s14] =	ssyncset.done @!p1 $0x0  }
0x13: {  	s9 =	smov.u32 s13;
	[sflag:s14] =	ssyncadd.s32 @!p1 $0xFFFFC000;
	s10 =	smov.u32 s15  }
.LBB1_1:
0x14: {  	p1 =	sgt.u32 s8, $0xC3  }
0x15: {  	s13 =	smul.u32 @!p1 $0x18800, s10  }
0x16: {  	s14 =	sxor.u32 @!p1 $0xFFFFFFFF, s8  }
0x17: {  	s15 =	sshll.u32 @!p1 s9, $0x7;
	s14 =	sshll.u32 @!p1 s14, $0xE;
	s13 =	sadd.s32 @!p1 s2, s13  }
0x18: {  	s14 =	sand.u32 @!p1 $0x4000, s14;
	s13 =	sadd.s32 @!p1 s15, s13;
	s15 =	simm.s32 @!p1 $0x0  }
0x19: {  	[tilespmem:s14], [sflag:$0x1] =	stream.linear.gather @!p1 [hbm4b:s13+s15], $0x4000, $0x38;
	[tilespmem:$0x10000] =	vst v63  }
0x1a: {  	p1 =	seq.s32 s8, $0x0  }
0x1b: {  	p2 =	seq.s32 @!p1 s8, $0xC5  }
0x1c: {  	p1 =	por p1, p2  }
.Ltmp2:
0x1d: {  	_ = 	snop;
	(pc) =	sbr.rel @p1 .LBB1_7-.Ltmp2, $1  }
0x1e: {  	_ =	sdelay $0x3  }
0x1f: {  	s13 =	simm.s32 $0x1;
	_ =	swait.ge [sflag:s4], $0x4000;
	s16 =	sshll.u32 s8, $0xE  }
0x20: {  	s13 =	simm.s32 @!p0 $0x0;
	[sflag:s4] =	ssyncset.done $0x0;
	s31 =	sand.u32 $0x4000, s16  }
0x21: {  	s16 =	simm.s32 $0x0;
	s13 =	sshll.u32 s13, $0xE;
	[sflag:s4] =	ssyncadd.s32 $0xFFFFC000  }
0x22: {  	s14 =	sor.u32 $0x8040, s13;
	s15 =	sor.u32 $0x40, s13;
	s13 =	sor.u32 $0x8000, s31  }
.LBB1_3:
0x23: {  	v0 =	vmov s15;
	_ =	sdelay $0x3  }
0x24: {  	s18 =	simm.s32 $0x0  }
0x25: {  	v6 =	vld.idx.msk [tilespmem:v0+s18+$0x30 ss:$0x1], $0xffff  }
0x26: {  	v7 =	vld.idx.msk [tilespmem:v0+s18+$0xFFFFFFC0 ss:$0x1], $0xffff  }
0x27: {  	v5 =	vld.idx.msk [tilespmem:v0+s18+$0xFFFFFFD0 ss:$0x1], $0xffff  }
0x28: {  	v4 =	vld.idx.msk [tilespmem:v0+s18+$0xFFFFFFE0 ss:$0x1], $0xffff  }
0x29: {  	v3 =	vld.idx.msk [tilespmem:v0+s18+$0xFFFFFFF0 ss:$0x1], $0xffff  }
0x2a: {  	v1 =	vld.idx.msk [tilespmem:v0+s18+$0x0 ss:$0x1], $0xffff  }
0x2b: {  	v2 =	vld.idx.msk [tilespmem:v0+s18+$0x10 ss:$0x1], $0xffff;
	[tilespmem:s14+$0x30] =	vst v6  }
0x2c: {  	s17 =	simm.s32 $0x80;
	s19 =	simm.s32 $0x400;
	[tilespmem:s14+$0xFFFFFFC0] =	vst v7;
	v6 =	vld.idx.msk [tilespmem:v0+s18+$0x20 ss:$0x1], $0xffff;
	s18 =	smov.u32 s14  }
.LBB1_4:
0x2d: {  	p1 =	sne.s32 s19, $0xE00;
	v7 =	vld.idx.msk [tilespmem:v0+s17+$0x30 ss:$0x1], $0xffff;
	[tilespmem:s18+$0xFFFFFFD0] =	vst v5  }
0x2e: {  	v8 =	vld.idx.msk [tilespmem:v0+s17+$0xFFFFFFC0 ss:$0x1], $0xffff;
	[tilespmem:s18+$0xFFFFFFE0] =	vst v4  }
0x2f: {  	v5 =	vld.idx.msk [tilespmem:v0+s17+$0xFFFFFFD0 ss:$0x1], $0xffff;
	[tilespmem:s18+$0xFFFFFFF0] =	vst v3  }
.Ltmp3:
0x30: {  	v4 =	vld.idx.msk [tilespmem:v0+s17+$0xFFFFFFE0 ss:$0x1], $0xffff;
	[tilespmem:s18+$0x0] =	vst v1;
	(pc) =	sbr.rel @p1 .LBB1_4-.Ltmp3, $4  }
0x31: {  	v3 =	vld.idx.msk [tilespmem:v0+s17+$0xFFFFFFF0 ss:$0x1], $0xffff;
	[tilespmem:s18+$0x10] =	vst v2  }
0x32: {  	v1 =	vld.idx.msk [tilespmem:v0+s17+$0x0 ss:$0x1], $0xffff;
	[tilespmem:s18+$0x20] =	vst v6;
	s18 =	sadd.s32 $0x800, s18  }
0x33: {  	v2 =	vld.idx.msk [tilespmem:v0+s17+$0x10 ss:$0x1], $0xffff;
	[tilespmem:s18+$0x30] =	vst v7  }
0x34: {  	[tilespmem:s18+$0xFFFFFFC0] =	vst v8;
	v6 =	vld.idx.msk [tilespmem:v0+s17+$0x20 ss:$0x1], $0xffff;
	s17 =	sshra.s32 s19, $0x2;
	s19 =	sadd.s32 $0x200, s19  }
0x35: {  	_ =	sdelay $0x2  }
0x36: {  	[tilespmem:s18+$0xFFFFFFD0] =	vst v5  }
0x37: {  	v56 =	vld.idx.msk [tilespmem:v0+s17+$0x30 ss:$0x1], $0xffff;
	[tilespmem:s18+$0xFFFFFFE0] =	vst v4  }
0x38: {  	v57 =	vld.idx.msk [tilespmem:v0+s17+$0xFFFFFFC0 ss:$0x1], $0xffff;
	[tilespmem:s18+$0xFFFFFFF0] =	vst v3  }
0x39: {  	v58 =	vld.idx.msk [tilespmem:v0+s17+$0xFFFFFFD0 ss:$0x1], $0xffff;
	[tilespmem:s18+$0x0] =	vst v1  }
0x3a: {  	v59 =	vld.idx.msk [tilespmem:v0+s17+$0xFFFFFFE0 ss:$0x1], $0xffff;
	[tilespmem:s18+$0x10] =	vst v2  }
0x3b: {  	v60 =	vld.idx.msk [tilespmem:v0+s17+$0xFFFFFFF0 ss:$0x1], $0xffff;
	s31 =	sadd.s32 $0x800, s18;
	[tilespmem:s18+$0x20] =	vst v6  }
0x3c: {  	v61 =	vld.idx.msk [tilespmem:v0+s17+$0x0 ss:$0x1], $0xffff;
	[tilespmem:s31+$0x30] =	vst v56  }
0x3d: {  	v62 =	vld.idx.msk [tilespmem:v0+s17+$0x10 ss:$0x1], $0xffff;
	s16 =	sadd.s32 $0x1, s16;
	[tilespmem:s31+$0xFFFFFFC0] =	vst v57  }
0x3e: {  	v63 =	vld.idx.msk [tilespmem:v0+s17+$0x20 ss:$0x1], $0xffff;
	p1 =	sne.s32 s16, $0x10;
	[tilespmem:s31+$0xFFFFFFD0] =	vst v58  }
.Ltmp4:
0x3f: {  	[tilespmem:s31+$0xFFFFFFE0] =	vst v59;
	(pc) =	sbr.rel @p1 .LBB1_3-.Ltmp4, $4  }
0x40: {  	[tilespmem:s31+$0xFFFFFFF0] =	vst v60  }
0x41: {  	[tilespmem:s31+$0x0] =	vst v61  }
0x42: {  	[tilespmem:s31+$0x10] =	vst v62  }
0x43: {  	s14 =	sadd.s32 $0x80, s14;
	s15 =	sadd.s32 $0x400, s15;
	[tilespmem:s31+$0x20] =	vst v63  }
0x44: {  	s11 =	sand.u32 $0x1FFFFFF, s11  }
0x45: {  	s14 =	smulhi.u32 $0x14E5E0B, s11;
	_ =	sdelay $0x1  }
0x46: {  	s12 =	smul.u32 $0x18800, s12;
	s14 =	sshrl.u32 s14, $0x2  }
0x47: {  	s14 =	smul.u32 $0x310, s14  }
.Ltmp5:
0x48: {  	_ = 	snop;
	(pc) =	sbr.rel .LBB1_7-.Ltmp5, $4  }
0x49: {  	s11 =	ssub.s32 s11, s14  }
0x4a: {  	s12 =	sadd.s32 s3, s12;
	s11 =	sshll.u32 s11, $0x4  }
0x4b: {  	s11 =	sadd.s32 s11, s12  }
0x4c: {  	[hbm4b:s11+s6] =	stream.strided.scatter [tilespmem:s13], [sflag:$0x2], $0x4000, s7, s6, $0x38;
	[tilespmem:$0x10000] =	vst v63  }
.LBB1_8:
0x4d: {  	_ =	sfence.sel $0x180000  }
0x4e: {  	s2 =	simm.s32 $0x1;
	[bflag:$0x0] =	sbarrier.arrive $0xFFFF  }
0x4f: {  	s31 =	simm.s32 $0x2;
	[sflag:s2] =	ssyncpa.u1 $0x1  }
0x50: {  	[sflag:s31] =	ssyncpa.u1 $0x1  }
0x51: {  	p0 =	sne.s32 s1, $0x0;
	_ =	strace $0x90000047  }
0x52: {  	s0 =	sadd.s32 @!p0 $0x100000, s0;
	[bflag:$0x2] =	sbarrier.arrive $0xFFFF  }
0x53: {  	[sflag:s0] =	ssyncadd.tile.s32 @!p0 $0x1;
	_ =	shalt  }
.Lfunc_end1:
_tile_overlayer_lowered:
.L_overlay_start_2:
0x54: {  	(tag) =	ssettag $0x2  }
0x55: {  	s0 =	rddreg [dreg:$0x0];
	s2 =	stileid.u32  }
0x56: {  	s1 =	rddreg [dreg:$0x1];
	p0 =	sne.s32 s2, $0x0  }
0x57: {  	s3 =	rddreg [dreg:$0x2];
	[bflag:$0x3] =	sbarrier.arrive $0xFFFF;
	s2 =	simm.s32 @!p0 $0x1C01  }
0x58: {  	[timem:s3], [sflag:s2] =	dma.local @!p0 [hbm:s0], s1  }
0x59: {  	s0 =	simm.s32 @!p0 $0x1  }
0x5a: {  	_ =	swait.ge @!p0 [sflag:s0], s1  }
0x5b: {  	s1 =	ssub.s32 @!p0 $0x0, s1;
	[sflag:s0] =	ssyncset.done @!p0 $0x0  }
0x5c: {  	[sflag:s0] =	ssyncadd.s32 @!p0 s1  }
0x5d: {  	[bflag:$0x3] =	sbarrier.arrive $0xFFFF  }
0x5e: {  	_ =	shalt  }

</sc_bundles>
